<compile_context>
chip_gen: v7x
topology: tpu7x:2x2x1
jax: 0.10.2.dev20260603
libtpu: 0.0.44.dev20260713+nightly
codegen_flags: <defaults>
</compile_context>

<pallas_src>
import functools

import jax
import jax.numpy as jnp
from jax import lax
from jax.experimental import pallas as pl
from jax.experimental.pallas import tpu as pltpu
from jax.experimental.pallas import tpu_sc as plsc

N = 10000
E = 160000
D = 256
DP = 128
EPAD = 163840
NC = 2
NS = 16
NW = NC * NS
EW = EPAD // NW
C = 80
NCH = EW // C
G = C // 16
RB = 1000
NB = N // RB

_DN = (((1,), (1,)), ((), ()))


def _pack_bf16(a):
    a16 = lax.bitcast_convert_type(a.astype(jnp.bfloat16), jnp.uint16)
    lo = a16[:, :128].astype(jnp.uint32)
    hi = a16[:, 128:].astype(jnp.uint32)
    return lax.bitcast_convert_type((hi << 16) | lo, jnp.float32)


def _qk_body(x, wq, wk, bq, bk, q, k):
    xv = x[...]
    q[...] = _pack_bf16(_bdot(xv, wq[...]) + bq[...])
    k[...] = _pack_bf16(_bdot(xv, wk[...]) + bk[...])


def _bdot(a, b):
    return lax.dot_general(a.astype(jnp.bfloat16), b.astype(jnp.bfloat16),
                           _DN, preferred_element_type=jnp.float32)


def _out_body(x, r, wv, bv, wo, bo, out):
    v = _bdot(x[...], wv[...]) + bv[...]
    out[...] = _bdot(v * r[...], wo[...]) + bo[...]


def _edge_body(q_hbm, k_hbm, src_hbm, dst_hbm, ew_hbm, cbw_hbm,
               p_hbm, sums_hbm,
               src_all, dst_all, ew_all, dst_v, p_v, qrows, krows, cbw_v,
               zero_v, tbuf, shared_sum, sem):
    c_id = lax.axis_index("c")
    s_id = lax.axis_index("s")
    wid = s_id * NC + c_id
    base_w = wid * EW

    pltpu.sync_copy(cbw_hbm, cbw_v)

    @pl.loop(0, 2000 // 16)
    def _(i):
        zero_v[pl.ds(i * 16, 16)] = jnp.zeros((16,), jnp.float32)

    @pl.when(s_id == 0)
    def _():
        for i in range(N // 2000):
            pltpu.sync_copy(zero_v, shared_sum.at[pl.ds(i * 2000, 2000)])

    plsc.subcore_barrier()

    lanes = lax.iota(jnp.int32, 16)
    cbw_vec = cbw_v[...]

    pltpu.sync_copy(src_hbm.at[pl.ds(base_w, EW)], src_all)
    pltpu.sync_copy(dst_hbm.at[pl.ds(base_w, EW)], dst_all)
    pltpu.sync_copy(ew_hbm.at[pl.ds(base_w, EW)], ew_all)

    def start_chunk(b, ch):
        pltpu.async_copy(dst_hbm.at[pl.ds(base_w + ch * C, C)], dst_v[b], sem[b])
        pltpu.async_copy(q_hbm.at[src_all.at[pl.ds(ch * C, C)]], qrows[b], sem[b])
        pltpu.async_copy(k_hbm.at[dst_all.at[pl.ds(ch * C, C)]], krows[b], sem[b])

    def wait_chunk(b, ch):
        pltpu.make_async_copy(dst_hbm.at[pl.ds(base_w + ch * C, C)], dst_v[b], sem[b]).wait()
        pltpu.make_async_copy(q_hbm.at[src_all.at[pl.ds(ch * C, C)]], qrows[b], sem[b]).wait()
        pltpu.make_async_copy(k_hbm.at[dst_all.at[pl.ds(ch * C, C)]], krows[b], sem[b]).wait()

    def compute_chunk(b, ch):
        base_e = base_w + ch * C

        @pl.loop(0, G)
        def _(g):
            @pl.loop(0, 16)
            def _(e):
                ge = g * 16 + e
                rows = jnp.full((16,), ge, jnp.int32)

                def jstep(j, acc):
                    cols = j * 16 + lanes
                    qw = plsc.load_gather(qrows[b], [rows, cols])
                    kw = plsc.load_gather(krows[b], [rows, cols])
                    pr = plsc.bitcast(qw, jnp.bfloat16) * plsc.bitcast(kw, jnp.bfloat16)
                    pa, pb = plsc.unpack(pr, format=plsc.PackFormat.INTERLEAVED)
                    return acc + pa + pb

                acc = lax.fori_loop(0, DP // 16, jstep,
                                    jnp.zeros((16,), jnp.float32), unroll=8)
                tbuf[pl.ds(17 * e, 16)] = acc

            s = jnp.zeros((16,), jnp.float32)
            for d in range(16):
                s = s + plsc.load_gather(tbuf, [17 * lanes + d])
            ewg = ew_all[pl.ds(ch * C + g * 16, 16)]
            s = s * 0.125 + cbw_vec * (ewg + 1.0) * 0.5
            ge = base_e + g * 16 + lanes
            p_v[pl.ds(g * 16, 16)] = jnp.where(ge < E, jnp.exp(s), 0.0)
        pltpu.sync_copy(p_v, shared_sum.at[dst_v[b]], add=True)
        pltpu.sync_copy(p_v, p_hbm.at[pl.ds(base_e, C)])

    start_chunk(0, 0)

    @pl.loop(0, NCH, step=2)
    def _(cc):
        for b in range(2):
            ch = cc + b

            @pl.when(ch + 1 < NCH)
            def _():
                start_chunk(1 - b, ch + 1)

            wait_chunk(b, ch)
            compute_chunk(b, ch)

    plsc.subcore_barrier()

    @pl.when(s_id == 0)
    def _():
        pltpu.sync_copy(shared_sum, sums_hbm.at[c_id])


def _wts_body(p_hbm, dst_hbm, sums_hbm, w_hbm, r_hbm,
              s_all, inv_t, r_t, p_v, dst_v, w_v):
    c_id = lax.axis_index("c")
    s_id = lax.axis_index("s")
    wid = s_id * NC + c_id
    base = wid * EW
    pltpu.sync_copy(sums_hbm, s_all)
    pltpu.sync_copy(p_hbm.at[pl.ds(base, EW)], p_v)
    pltpu.sync_copy(dst_hbm.at[pl.ds(base, EW)], dst_v)

    @pl.loop(0, N // 16)
    def _(i):
        o = i * 16
        tot = s_all[pl.ds(o, 16)] + s_all[pl.ds(N + o, 16)]
        iv = 1.0 / (tot + 1e-9)
        inv_t[pl.ds(o, 16)] = iv
        r_t[pl.ds(o, 16)] = tot * iv

    @pl.when(wid == 0)
    def _():
        pltpu.sync_copy(r_t, r_hbm)

    @pl.loop(0, EW // 16, unroll=4)
    def _(g):
        o = g * 16
        idx = dst_v[pl.ds(o, 16)]
        iv = plsc.load_gather(inv_t, [idx])
        w_v[pl.ds(o, 16)] = p_v[pl.ds(o, 16)] * iv

    pltpu.sync_copy(w_v, w_hbm.at[pl.ds(base, EW)])


def kernel(node_features, edge_index, edge_weight, Wq, bq, Wk, bk, Wv, bv, cbw, Wo, bo):
    f32 = jnp.float32
    pad_idx = jnp.arange(EPAD - E, dtype=jnp.int32) % N
    src = jnp.concatenate([edge_index[0], pad_idx])
    dst = jnp.concatenate([edge_index[1], pad_idx])
    ew = jnp.concatenate([edge_weight.astype(f32), jnp.zeros((EPAD - E,), f32)])
    cbw16 = jnp.broadcast_to(cbw.astype(f32), (16,))
    bq2 = bq.reshape(1, D)
    bk2 = bk.reshape(1, D)
    bv2 = bv.reshape(1, D)
    bo2 = bo.reshape(1, D)

    q, k = pl.pallas_call(
        _qk_body,
        grid=(NB,),
        in_specs=[
            pl.BlockSpec((RB, D), lambda i: (i, 0)),
            pl.BlockSpec((D, D), lambda i: (0, 0)),
            pl.BlockSpec((D, D), lambda i: (0, 0)),
            pl.BlockSpec((1, D), lambda i: (0, 0)),
            pl.BlockSpec((1, D), lambda i: (0, 0)),
        ],
        out_specs=[pl.BlockSpec((RB, DP), lambda i: (i, 0))] * 2,
        out_shape=[jax.ShapeDtypeStruct((N, DP), f32)] * 2,
    )(node_features, Wq, Wk, bq2, bk2)

    mesh = plsc.VectorSubcoreMesh(core_axis_name="c", subcore_axis_name="s")
    p, sums = pl.kernel(
        _edge_body,
        out_type=[
            jax.ShapeDtypeStruct((EPAD,), f32),
            jax.ShapeDtypeStruct((NC, N), f32),
        ],
        mesh=mesh,
        scratch_types=[
            pltpu.VMEM((EW,), jnp.int32),
            pltpu.VMEM((EW,), jnp.int32),
            pltpu.VMEM((EW,), f32),
            [pltpu.VMEM((C,), jnp.int32)] * 2,
            pltpu.VMEM((C,), f32),
            [pltpu.VMEM((C, DP), f32)] * 2,
            [pltpu.VMEM((C, DP), f32)] * 2,
            pltpu.VMEM((16,), f32),
            pltpu.VMEM((2000,), f32),
            pltpu.VMEM((17 * 16,), f32),
            pltpu.VMEM_SHARED((N,), f32),
            [pltpu.SemaphoreType.DMA] * 2,
        ],
        compiler_params=pltpu.CompilerParams(
            use_tc_tiling_on_sc=False, needs_layout_passes=False),
    )(q, k, src, dst, ew, cbw16)

    mesh_b = plsc.VectorSubcoreMesh(core_axis_name="c", subcore_axis_name="s")
    w, r = pl.kernel(
        _wts_body,
        out_type=[
            jax.ShapeDtypeStruct((EPAD,), f32),
            jax.ShapeDtypeStruct((N,), f32),
        ],
        mesh=mesh_b,
        scratch_types=[
            pltpu.VMEM((NC * N,), f32),
            pltpu.VMEM((N,), f32),
            pltpu.VMEM((N,), f32),
            pltpu.VMEM((EW,), f32),
            pltpu.VMEM((EW,), jnp.int32),
            pltpu.VMEM((EW,), f32),
        ],
        compiler_params=pltpu.CompilerParams(
            use_tc_tiling_on_sc=False, needs_layout_passes=False),
    )(p, dst, sums.reshape(-1))

    out = pl.pallas_call(
        _out_body,
        grid=(NB,),
        in_specs=[
            pl.BlockSpec((RB, D), lambda i: (i, 0)),
            pl.BlockSpec((RB, 1), lambda i: (i, 0)),
            pl.BlockSpec((D, D), lambda i: (0, 0)),
            pl.BlockSpec((1, D), lambda i: (0, 0)),
            pl.BlockSpec((D, D), lambda i: (0, 0)),
            pl.BlockSpec((1, D), lambda i: (0, 0)),
        ],
        out_specs=pl.BlockSpec((RB, D), lambda i: (i, 0)),
        out_shape=jax.ShapeDtypeStruct((N, D), f32),
    )(node_features, r.reshape(N, 1), Wv, bv2, Wo, bo2)

    return out, w[:E]

# --- scband reference (transcript-rebuilt; emitter-appended) ---
"""Pipeline reference for scband-consistency-attention-module-84782654423764 (READ-ONLY COPY).

The authoritative reference and input builder live on the scoring server;
editing this copy changes nothing except your own understanding.
"""

import jax, jax.numpy as jnp
import numpy as np

N_NODES = 10000
N_EDGES = 160000
EMB_DIM = 256
NUM_HEADS = 4
HEAD_DIM = EMB_DIM // NUM_HEADS


def setup_inputs(seed: int = 0) -> dict:
    key = jax.random.key(seed)
    ks = jax.random.split(key, 12)
    bound = 1.0 / np.sqrt(EMB_DIM)
    inp = {
        "node_features": jax.random.normal(ks[0], (N_NODES, EMB_DIM), dtype=jnp.float32),
        "edge_index": jax.random.randint(ks[1], (2, N_EDGES), 0, N_NODES, dtype=jnp.int32),
        "edge_weight": jax.random.uniform(ks[2], (N_EDGES,), dtype=jnp.float32),
        "Wq": jax.random.uniform(ks[3], (EMB_DIM, EMB_DIM), minval=-bound, maxval=bound, dtype=jnp.float32),
        "bq": jax.random.uniform(ks[4], (EMB_DIM,), minval=-bound, maxval=bound, dtype=jnp.float32),
        "Wk": jax.random.uniform(ks[5], (EMB_DIM, EMB_DIM), minval=-bound, maxval=bound, dtype=jnp.float32),
        "bk": jax.random.uniform(ks[6], (EMB_DIM,), minval=-bound, maxval=bound, dtype=jnp.float32),
        "Wv": jax.random.uniform(ks[7], (EMB_DIM, EMB_DIM), minval=-bound, maxval=bound, dtype=jnp.float32),
        "bv": jax.random.uniform(ks[8], (EMB_DIM,), minval=-bound, maxval=bound, dtype=jnp.float32),
        "cbw": jnp.ones((1,), dtype=jnp.float32),
        "Wo": jax.random.uniform(ks[9], (EMB_DIM, EMB_DIM), minval=-bound, maxval=bound, dtype=jnp.float32),
        "bo": jax.random.uniform(ks[10], (EMB_DIM,), minval=-bound, maxval=bound, dtype=jnp.float32),
    }
    return inp


def reference(node_features, edge_index, edge_weight, Wq, bq, Wk, bk, Wv, bv, cbw, Wo, bo):
    total_nodes = node_features.shape[0]
    Q = node_features @ Wq.T + bq
    K = node_features @ Wk.T + bk
    V = node_features @ Wv.T + bv
    src_idx = edge_index[0]
    dst_idx = edge_index[1]
    q_src = jnp.take(Q, src_idx, axis=0)
    k_dst = jnp.take(K, dst_idx, axis=0)
    v_dst = jnp.take(V, dst_idx, axis=0)
    attention_scores = (q_src * k_dst).sum(axis=-1) / (HEAD_DIM ** 0.5)
    normalized_weight = (edge_weight + 1.0) / 2.0
    consistency_bias = cbw[0] * normalized_weight
    attention_scores = attention_scores + consistency_bias
    # scatter softmax over incoming edges per dst node (torch index_reduce_ amax starts from zeros, include_self=True)
    max_val = jnp.zeros((total_nodes,), dtype=attention_scores.dtype).at[dst_idx].max(attention_scores)
    src_exp = jnp.exp(attention_scores - jnp.take(max_val, dst_idx))
    sum_val = jnp.zeros((total_nodes,), dtype=src_exp.dtype).at[dst_idx].add(src_exp)
    attention_weights = src_exp / (jnp.take(sum_val, dst_idx) + 1e-09)
    messages = v_dst * attention_weights[:, None]
    updated_features = jnp.zeros_like(node_features).at[dst_idx].add(messages)
    output = updated_features @ Wo.T + bo
    return (output, attention_weights)

if __name__ == "__main__":
    import jax
    _d = setup_inputs()
    print(jax.jit(kernel)(*tuple(_d.values())))

</pallas_src>

<mosaic_0001>
#map = affine_map<(d0, d1) -> (0, 0)>
#map1 = affine_map<(d0, d1) -> (0)>
module attributes {stable_mosaic.version = 14 : i64} {
  func.func @_edge_body(%arg0: i32, %arg1: i32, %arg2: memref<10000x128xf32, #tpu.memory_space<hbm>>, %arg3: memref<10000x128xf32, #tpu.memory_space<hbm>>, %arg4: memref<163840xi32, #tpu.memory_space<hbm>>, %arg5: memref<163840xi32, #tpu.memory_space<hbm>>, %arg6: memref<163840xf32, #tpu.memory_space<hbm>>, %arg7: memref<16xf32, #tpu.memory_space<hbm>>, %arg8: memref<163840xf32, #tpu.memory_space<hbm>>, %arg9: memref<2x10000xf32, #tpu.memory_space<hbm>>, %arg10: memref<5120xi32, #tpu.memory_space<vmem>>, %arg11: memref<5120xi32, #tpu.memory_space<vmem>>, %arg12: memref<5120xf32, #tpu.memory_space<vmem>>, %arg13: memref<80xi32, #tpu.memory_space<vmem>>, %arg14: memref<80xi32, #tpu.memory_space<vmem>>, %arg15: memref<80xf32, #tpu.memory_space<vmem>>, %arg16: memref<80x128xf32, #tpu.memory_space<vmem>>, %arg17: memref<80x128xf32, #tpu.memory_space<vmem>>, %arg18: memref<80x128xf32, #tpu.memory_space<vmem>>, %arg19: memref<80x128xf32, #tpu.memory_space<vmem>>, %arg20: memref<16xf32, #tpu.memory_space<vmem>>, %arg21: memref<2000xf32, #tpu.memory_space<vmem>>, %arg22: memref<272xf32, #tpu.memory_space<vmem>>, %arg23: memref<10000xf32, #tpu.memory_space<vmem_shared>>, %arg24: memref<!tpu.dma_semaphore, #tpu.memory_space<semaphore_mem>>, %arg25: memref<!tpu.dma_semaphore, #tpu.memory_space<semaphore_mem>>) attributes {dimension_semantics = [#tpu.dimension_semantics<core_parallel>, #tpu.dimension_semantics<subcore_parallel>], iteration_bounds = array<i64: 2, 16>, scalar_prefetch = 0 : i64, scratch_operands = 16 : i64, tpu.core_type = #tpu.core_type<sc_vector_subcore>, window_params = [{transform_indices = #map}, {transform_indices = #map}, {transform_indices = #map1}, {transform_indices = #map1}, {transform_indices = #map1}, {transform_indices = #map1}, {transform_indices = #map1}, {transform_indices = #map}]} {
    %mul3A = arith.constant 2 : i32
    %mul3A_0 = arith.muli %arg1, %mul3A : i32
    %add3A = arith.addi %mul3A_0, %arg0 : i32
    %mul3A_1 = arith.constant 5120 : i32
    %mul3A_2 = arith.muli %add3A, %mul3A_1 : i32
    "tpu.region"() ({
      %run_scoped3A = tpu.sem_alloc : memref<!tpu.dma_semaphore, #tpu.memory_space<semaphore_mem>>
      tpu.enqueue_dma source(%arg7 : memref<16xf32, #tpu.memory_space<hbm>>) target(%arg20 : memref<16xf32, #tpu.memory_space<vmem>>) target_semaphore(%run_scoped3A : memref<!tpu.dma_semaphore, #tpu.memory_space<semaphore_mem>>)
      tpu.wait_dma2 semaphore(%run_scoped3A : memref<!tpu.dma_semaphore, #tpu.memory_space<semaphore_mem>>) src(%arg7 : memref<16xf32, #tpu.memory_space<hbm>>) dst(%arg20 : memref<16xf32, #tpu.memory_space<vmem>>)
      tpu.yield
    }) : () -> ()
    %scan3A = arith.constant 0 : i32
    %scan3A_3 = arith.constant 125 : i32
    %scan3A_4 = arith.addi %scan3A, %scan3A_3 : i32
    %scan3A_5 = arith.constant 1 : i32
    scf.for %scan3A_34 = %scan3A to %scan3A_4 step %scan3A_5  : i32 {
      %mul3A_35 = arith.constant 1 : i32
      %mul3A_36 = arith.muli %scan3A_34, %mul3A_35 : i32
      %add3A_37 = arith.constant 0 : i32
      %add3A_38 = arith.addi %add3A_37, %mul3A_36 : i32
      %broadcast_in_dim3A = arith.constant 0.000000e+00 : f32
      %broadcast_in_dim3A_39 = vector.broadcast %broadcast_in_dim3A : f32 to vector<16xf32>
      %mul3A_40 = arith.constant 16 : i32
      %mul3A_41 = arith.muli %add3A_38, %mul3A_40 : i32
      %swap3A = arith.index_cast %mul3A_41 : i32 to index
      %swap3A_42 = tpu.vector_load %arg21[%swap3A] {strides = array<i32>} : memref<2000xf32, #tpu.memory_space<vmem>>, vector<16xf32>,
      tpu.vector_store %arg21[%swap3A], %broadcast_in_dim3A_39 {strides = array<i32>} : memref<2000xf32, #tpu.memory_space<vmem>>, vector<16xf32>,
    }
    %scan3A_6 = arith.constant 125 : i32
    %eq3A = arith.constant 0 : i32
    %eq3A_7 = arith.cmpi eq, %arg1, %eq3A : i32
    %convert_element_type3A = arith.extui %eq3A_7 : i1 to i32
    %cond3A = arith.constant 0 : i32
    %cond3A_8 = arith.cmpi ne, %convert_element_type3A, %cond3A : i32
    scf.if %cond3A_8 {
      "tpu.region"() ({
        %run_scoped3A = tpu.sem_alloc : memref<!tpu.dma_semaphore, #tpu.memory_space<semaphore_mem>>
        %dma_start3A_34 = arith.constant 0 : i32
        %dma_start3A_35 = tpu.memref_slice %arg23[%dma_start3A_34] : memref<10000xf32, #tpu.memory_space<vmem_shared>> -> memref<2000xf32, #tpu.memory_space<vmem_shared>>
        %dma_start3A_36 = arith.constant 0 : i32
        %dma_start3A_37 = tpu.memref_slice %arg23[%dma_start3A_36] : memref<10000xf32, #tpu.memory_space<vmem_shared>> -> memref<2000xf32, #tpu.memory_space<vmem_shared>>
        tpu.enqueue_dma source(%arg21 : memref<2000xf32, #tpu.memory_space<vmem>>) target(%dma_start3A_37 : memref<2000xf32, #tpu.memory_space<vmem_shared>>) target_semaphore(%run_scoped3A : memref<!tpu.dma_semaphore, #tpu.memory_space<semaphore_mem>>)
        %dma_wait3A = arith.constant 0 : i32
        %dma_wait3A_38 = tpu.memref_slice %arg23[%dma_wait3A] : memref<10000xf32, #tpu.memory_space<vmem_shared>> -> memref<2000xf32, #tpu.memory_space<vmem_shared>>
        %dma_wait3A_39 = arith.constant 0 : i32
        %dma_wait3A_40 = tpu.memref_slice %arg23[%dma_wait3A_39] : memref<10000xf32, #tpu.memory_space<vmem_shared>> -> memref<2000xf32, #tpu.memory_space<vmem_shared>>
        tpu.wait_dma2 semaphore(%run_scoped3A : memref<!tpu.dma_semaphore, #tpu.memory_space<semaphore_mem>>) src(%arg21 : memref<2000xf32, #tpu.memory_space<vmem>>) dst(%dma_wait3A_40 : memref<2000xf32, #tpu.memory_space<vmem_shared>>)
        tpu.yield
      }) : () -> ()
      "tpu.region"() ({
        %run_scoped3A = tpu.sem_alloc : memref<!tpu.dma_semaphore, #tpu.memory_space<semaphore_mem>>
        %dma_start3A_34 = arith.constant 2000 : i32
        %dma_start3A_35 = tpu.memref_slice %arg23[%dma_start3A_34] : memref<10000xf32, #tpu.memory_space<vmem_shared>> -> memref<2000xf32, #tpu.memory_space<vmem_shared>>
        %dma_start3A_36 = arith.constant 2000 : i32
        %dma_start3A_37 = tpu.memref_slice %arg23[%dma_start3A_36] : memref<10000xf32, #tpu.memory_space<vmem_shared>> -> memref<2000xf32, #tpu.memory_space<vmem_shared>>
        tpu.enqueue_dma source(%arg21 : memref<2000xf32, #tpu.memory_space<vmem>>) target(%dma_start3A_37 : memref<2000xf32, #tpu.memory_space<vmem_shared>>) target_semaphore(%run_scoped3A : memref<!tpu.dma_semaphore, #tpu.memory_space<semaphore_mem>>)
        %dma_wait3A = arith.constant 2000 : i32
        %dma_wait3A_38 = tpu.memref_slice %arg23[%dma_wait3A] : memref<10000xf32, #tpu.memory_space<vmem_shared>> -> memref<2000xf32, #tpu.memory_space<vmem_shared>>
        %dma_wait3A_39 = arith.constant 2000 : i32
        %dma_wait3A_40 = tpu.memref_slice %arg23[%dma_wait3A_39] : memref<10000xf32, #tpu.memory_space<vmem_shared>> -> memref<2000xf32, #tpu.memory_space<vmem_shared>>
        tpu.wait_dma2 semaphore(%run_scoped3A : memref<!tpu.dma_semaphore, #tpu.memory_space<semaphore_mem>>) src(%arg21 : memref<2000xf32, #tpu.memory_space<vmem>>) dst(%dma_wait3A_40 : memref<2000xf32, #tpu.memory_space<vmem_shared>>)
        tpu.yield
      }) : () -> ()
      "tpu.region"() ({
        %run_scoped3A = tpu.sem_alloc : memref<!tpu.dma_semaphore, #tpu.memory_space<semaphore_mem>>
        %dma_start3A_34 = arith.constant 4000 : i32
        %dma_start3A_35 = tpu.memref_slice %arg23[%dma_start3A_34] : memref<10000xf32, #tpu.memory_space<vmem_shared>> -> memref<2000xf32, #tpu.memory_space<vmem_shared>>
        %dma_start3A_36 = arith.constant 4000 : i32
        %dma_start3A_37 = tpu.memref_slice %arg23[%dma_start3A_36] : memref<10000xf32, #tpu.memory_space<vmem_shared>> -> memref<2000xf32, #tpu.memory_space<vmem_shared>>
        tpu.enqueue_dma source(%arg21 : memref<2000xf32, #tpu.memory_space<vmem>>) target(%dma_start3A_37 : memref<2000xf32, #tpu.memory_space<vmem_shared>>) target_semaphore(%run_scoped3A : memref<!tpu.dma_semaphore, #tpu.memory_space<semaphore_mem>>)
        %dma_wait3A = arith.constant 4000 : i32
        %dma_wait3A_38 = tpu.memref_slice %arg23[%dma_wait3A] : memref<10000xf32, #tpu.memory_space<vmem_shared>> -> memref<2000xf32, #tpu.memory_space<vmem_shared>>
        %dma_wait3A_39 = arith.constant 4000 : i32
        %dma_wait3A_40 = tpu.memref_slice %arg23[%dma_wait3A_39] : memref<10000xf32, #tpu.memory_space<vmem_shared>> -> memref<2000xf32, #tpu.memory_space<vmem_shared>>
        tpu.wait_dma2 semaphore(%run_scoped3A : memref<!tpu.dma_semaphore, #tpu.memory_space<semaphore_mem>>) src(%arg21 : memref<2000xf32, #tpu.memory_space<vmem>>) dst(%dma_wait3A_40 : memref<2000xf32, #tpu.memory_space<vmem_shared>>)
        tpu.yield
      }) : () -> ()
      "tpu.region"() ({
        %run_scoped3A = tpu.sem_alloc : memref<!tpu.dma_semaphore, #tpu.memory_space<semaphore_mem>>
        %dma_start3A_34 = arith.constant 6000 : i32
        %dma_start3A_35 = tpu.memref_slice %arg23[%dma_start3A_34] : memref<10000xf32, #tpu.memory_space<vmem_shared>> -> memref<2000xf32, #tpu.memory_space<vmem_shared>>
        %dma_start3A_36 = arith.constant 6000 : i32
        %dma_start3A_37 = tpu.memref_slice %arg23[%dma_start3A_36] : memref<10000xf32, #tpu.memory_space<vmem_shared>> -> memref<2000xf32, #tpu.memory_space<vmem_shared>>
        tpu.enqueue_dma source(%arg21 : memref<2000xf32, #tpu.memory_space<vmem>>) target(%dma_start3A_37 : memref<2000xf32, #tpu.memory_space<vmem_shared>>) target_semaphore(%run_scoped3A : memref<!tpu.dma_semaphore, #tpu.memory_space<semaphore_mem>>)
        %dma_wait3A = arith.constant 6000 : i32
        %dma_wait3A_38 = tpu.memref_slice %arg23[%dma_wait3A] : memref<10000xf32, #tpu.memory_space<vmem_shared>> -> memref<2000xf32, #tpu.memory_space<vmem_shared>>
        %dma_wait3A_39 = arith.constant 6000 : i32
        %dma_wait3A_40 = tpu.memref_slice %arg23[%dma_wait3A_39] : memref<10000xf32, #tpu.memory_space<vmem_shared>> -> memref<2000xf32, #tpu.memory_space<vmem_shared>>
        tpu.wait_dma2 semaphore(%run_scoped3A : memref<!tpu.dma_semaphore, #tpu.memory_space<semaphore_mem>>) src(%arg21 : memref<2000xf32, #tpu.memory_space<vmem>>) dst(%dma_wait3A_40 : memref<2000xf32, #tpu.memory_space<vmem_shared>>)
        tpu.yield
      }) : () -> ()
      "tpu.region"() ({
        %run_scoped3A = tpu.sem_alloc : memref<!tpu.dma_semaphore, #tpu.memory_space<semaphore_mem>>
        %dma_start3A_34 = arith.constant 8000 : i32
        %dma_start3A_35 = tpu.memref_slice %arg23[%dma_start3A_34] : memref<10000xf32, #tpu.memory_space<vmem_shared>> -> memref<2000xf32, #tpu.memory_space<vmem_shared>>
        %dma_start3A_36 = arith.constant 8000 : i32
        %dma_start3A_37 = tpu.memref_slice %arg23[%dma_start3A_36] : memref<10000xf32, #tpu.memory_space<vmem_shared>> -> memref<2000xf32, #tpu.memory_space<vmem_shared>>
        tpu.enqueue_dma source(%arg21 : memref<2000xf32, #tpu.memory_space<vmem>>) target(%dma_start3A_37 : memref<2000xf32, #tpu.memory_space<vmem_shared>>) target_semaphore(%run_scoped3A : memref<!tpu.dma_semaphore, #tpu.memory_space<semaphore_mem>>)
        %dma_wait3A = arith.constant 8000 : i32
        %dma_wait3A_38 = tpu.memref_slice %arg23[%dma_wait3A] : memref<10000xf32, #tpu.memory_space<vmem_shared>> -> memref<2000xf32, #tpu.memory_space<vmem_shared>>
        %dma_wait3A_39 = arith.constant 8000 : i32
        %dma_wait3A_40 = tpu.memref_slice %arg23[%dma_wait3A_39] : memref<10000xf32, #tpu.memory_space<vmem_shared>> -> memref<2000xf32, #tpu.memory_space<vmem_shared>>
        tpu.wait_dma2 semaphore(%run_scoped3A : memref<!tpu.dma_semaphore, #tpu.memory_space<semaphore_mem>>) src(%arg21 : memref<2000xf32, #tpu.memory_space<vmem>>) dst(%dma_wait3A_40 : memref<2000xf32, #tpu.memory_space<vmem_shared>>)
        tpu.yield
      }) : () -> ()
    } else {
    }
    %barrier3A = arith.constant 0 : index
    tpu.barrier barrier_id(%barrier3A)
    %iota3A = tpu.iota {dimensions = array<i32: 0>} : vector<16xi32>
    %get3A = arith.constant 0 : index
    %get3A_9 = tpu.vector_load %arg20[%get3A] {strides = array<i32>} : memref<16xf32, #tpu.memory_space<vmem>>, vector<16xf32>,
    "tpu.region"() ({
      %run_scoped3A = tpu.sem_alloc : memref<!tpu.dma_semaphore, #tpu.memory_space<semaphore_mem>>
      %dma_start3A_34 = tpu.memref_slice %arg4[%mul3A_2] : memref<163840xi32, #tpu.memory_space<hbm>> -> memref<5120xi32, #tpu.memory_space<hbm>>
      %dma_start3A_35 = tpu.memref_slice %arg4[%mul3A_2] : memref<163840xi32, #tpu.memory_space<hbm>> -> memref<5120xi32, #tpu.memory_space<hbm>>
      tpu.enqueue_dma source(%dma_start3A_35 : memref<5120xi32, #tpu.memory_space<hbm>>) target(%arg10 : memref<5120xi32, #tpu.memory_space<vmem>>) target_semaphore(%run_scoped3A : memref<!tpu.dma_semaphore, #tpu.memory_space<semaphore_mem>>)
      %dma_wait3A = tpu.memref_slice %arg4[%mul3A_2] : memref<163840xi32, #tpu.memory_space<hbm>> -> memref<5120xi32, #tpu.memory_space<hbm>>
      %dma_wait3A_36 = tpu.memref_slice %arg4[%mul3A_2] : memref<163840xi32, #tpu.memory_space<hbm>> -> memref<5120xi32, #tpu.memory_space<hbm>>
      tpu.wait_dma2 semaphore(%run_scoped3A : memref<!tpu.dma_semaphore, #tpu.memory_space<semaphore_mem>>) src(%dma_wait3A_36 : memref<5120xi32, #tpu.memory_space<hbm>>) dst(%arg10 : memref<5120xi32, #tpu.memory_space<vmem>>)
      tpu.yield
    }) : () -> ()
    "tpu.region"() ({
      %run_scoped3A = tpu.sem_alloc : memref<!tpu.dma_semaphore, #tpu.memory_space<semaphore_mem>>
      %dma_start3A_34 = tpu.memref_slice %arg5[%mul3A_2] : memref<163840xi32, #tpu.memory_space<hbm>> -> memref<5120xi32, #tpu.memory_space<hbm>>
      %dma_start3A_35 = tpu.memref_slice %arg5[%mul3A_2] : memref<163840xi32, #tpu.memory_space<hbm>> -> memref<5120xi32, #tpu.memory_space<hbm>>
      tpu.enqueue_dma source(%dma_start3A_35 : memref<5120xi32, #tpu.memory_space<hbm>>) target(%arg11 : memref<5120xi32, #tpu.memory_space<vmem>>) target_semaphore(%run_scoped3A : memref<!tpu.dma_semaphore, #tpu.memory_space<semaphore_mem>>)
      %dma_wait3A = tpu.memref_slice %arg5[%mul3A_2] : memref<163840xi32, #tpu.memory_space<hbm>> -> memref<5120xi32, #tpu.memory_space<hbm>>
      %dma_wait3A_36 = tpu.memref_slice %arg5[%mul3A_2] : memref<163840xi32, #tpu.memory_space<hbm>> -> memref<5120xi32, #tpu.memory_space<hbm>>
      tpu.wait_dma2 semaphore(%run_scoped3A : memref<!tpu.dma_semaphore, #tpu.memory_space<semaphore_mem>>) src(%dma_wait3A_36 : memref<5120xi32, #tpu.memory_space<hbm>>) dst(%arg11 : memref<5120xi32, #tpu.memory_space<vmem>>)
      tpu.yield
    }) : () -> ()
    "tpu.region"() ({
      %run_scoped3A = tpu.sem_alloc : memref<!tpu.dma_semaphore, #tpu.memory_space<semaphore_mem>>
      %dma_start3A_34 = tpu.memref_slice %arg6[%mul3A_2] : memref<163840xf32, #tpu.memory_space<hbm>> -> memref<5120xf32, #tpu.memory_space<hbm>>
      %dma_start3A_35 = tpu.memref_slice %arg6[%mul3A_2] : memref<163840xf32, #tpu.memory_space<hbm>> -> memref<5120xf32, #tpu.memory_space<hbm>>
      tpu.enqueue_dma source(%dma_start3A_35 : memref<5120xf32, #tpu.memory_space<hbm>>) target(%arg12 : memref<5120xf32, #tpu.memory_space<vmem>>) target_semaphore(%run_scoped3A : memref<!tpu.dma_semaphore, #tpu.memory_space<semaphore_mem>>)
      %dma_wait3A = tpu.memref_slice %arg6[%mul3A_2] : memref<163840xf32, #tpu.memory_space<hbm>> -> memref<5120xf32, #tpu.memory_space<hbm>>
      %dma_wait3A_36 = tpu.memref_slice %arg6[%mul3A_2] : memref<163840xf32, #tpu.memory_space<hbm>> -> memref<5120xf32, #tpu.memory_space<hbm>>
      tpu.wait_dma2 semaphore(%run_scoped3A : memref<!tpu.dma_semaphore, #tpu.memory_space<semaphore_mem>>) src(%dma_wait3A_36 : memref<5120xf32, #tpu.memory_space<hbm>>) dst(%arg12 : memref<5120xf32, #tpu.memory_space<vmem>>)
      tpu.yield
    }) : () -> ()
    %add3A_10 = arith.constant 0 : i32
    %add3A_11 = arith.addi %mul3A_2, %add3A_10 : i32
    %dma_start3A = tpu.memref_slice %arg5[%add3A_11] : memref<163840xi32, #tpu.memory_space<hbm>> -> memref<80xi32, #tpu.memory_space<hbm>>
    %dma_start3A_12 = tpu.memref_slice %arg5[%add3A_11] : memref<163840xi32, #tpu.memory_space<hbm>> -> memref<80xi32, #tpu.memory_space<hbm>>
    tpu.enqueue_dma source(%dma_start3A_12 : memref<80xi32, #tpu.memory_space<hbm>>) target(%arg13 : memref<80xi32, #tpu.memory_space<vmem>>) target_semaphore(%arg24 : memref<!tpu.dma_semaphore, #tpu.memory_space<semaphore_mem>>)
    %dma_start3A_13 = arith.constant 0 : i32
    %dma_start3A_14 = tpu.memref_slice %arg10[%dma_start3A_13] : memref<5120xi32, #tpu.memory_space<vmem>> -> memref<80xi32, #tpu.memory_space<vmem>>
    %dma_start3A_15 = arith.constant 0 : i32
    %dma_start3A_16 = arith.constant 0 : i32
    %dma_start3A_17 = tpu.memref_slice %arg2[%dma_start3A_15, %dma_start3A_16] : memref<10000x128xf32, #tpu.memory_space<hbm>> -> memref<10000x128xf32, #tpu.memory_space<hbm>>
    tpu.enqueue_indirect_dma source(%dma_start3A_17 : memref<10000x128xf32, #tpu.memory_space<hbm>>) target(%arg16 : memref<80x128xf32, #tpu.memory_space<vmem>>) offsets(%dma_start3A_14 : memref<80xi32, #tpu.memory_space<vmem>>) semaphore(%arg24 : memref<!tpu.dma_semaphore, #tpu.memory_space<semaphore_mem>>)
    %dma_start3A_18 = arith.constant 0 : i32
    %dma_start3A_19 = tpu.memref_slice %arg11[%dma_start3A_18] : memref<5120xi32, #tpu.memory_space<vmem>> -> memref<80xi32, #tpu.memory_space<vmem>>
    %dma_start3A_20 = arith.constant 0 : i32
    %dma_start3A_21 = arith.constant 0 : i32
    %dma_start3A_22 = tpu.memref_slice %arg3[%dma_start3A_20, %dma_start3A_21] : memref<10000x128xf32, #tpu.memory_space<hbm>> -> memref<10000x128xf32, #tpu.memory_space<hbm>>
    tpu.enqueue_indirect_dma source(%dma_start3A_22 : memref<10000x128xf32, #tpu.memory_space<hbm>>) target(%arg18 : memref<80x128xf32, #tpu.memory_space<vmem>>) offsets(%dma_start3A_19 : memref<80xi32, #tpu.memory_space<vmem>>) semaphore(%arg24 : memref<!tpu.dma_semaphore, #tpu.memory_space<semaphore_mem>>)
    %scan3A_23 = arith.constant 0 : i32
    %scan3A_24 = arith.constant 32 : i32
    %scan3A_25 = arith.addi %scan3A_23, %scan3A_24 : i32
    %scan3A_26 = arith.constant 1 : i32
    scf.for %scan3A_34 = %scan3A_23 to %scan3A_25 step %scan3A_26  : i32 {
      %mul3A_35 = arith.constant 2 : i32
      %mul3A_36 = arith.muli %scan3A_34, %mul3A_35 : i32
      %add3A_37 = arith.constant 0 : i32
      %add3A_38 = arith.addi %add3A_37, %mul3A_36 : i32
      %add3A_39 = arith.constant 0 : i32
      %add3A_40 = arith.addi %add3A_38, %add3A_39 : i32
      %add3A_41 = arith.constant 1 : i32
      %add3A_42 = arith.addi %add3A_40, %add3A_41 : i32
      %lt3A = arith.constant 64 : i32
      %lt3A_43 = arith.cmpi slt, %add3A_42, %lt3A : i32
      %convert_element_type3A_44 = arith.extui %lt3A_43 : i1 to i32
      %cond3A_45 = arith.constant 0 : i32
      %cond3A_46 = arith.cmpi ne, %convert_element_type3A_44, %cond3A_45 : i32
      scf.if %cond3A_46 {
        %add3A_105 = arith.constant 1 : i32
        %add3A_106 = arith.addi %add3A_40, %add3A_105 : i32
        %mul3A_107 = arith.constant 80 : i32
        %mul3A_108 = arith.muli %add3A_106, %mul3A_107 : i32
        %add3A_109 = arith.addi %mul3A_2, %mul3A_108 : i32
        %dma_start3A_110 = tpu.memref_slice %arg5[%add3A_109] : memref<163840xi32, #tpu.memory_space<hbm>> -> memref<80xi32, #tpu.memory_space<hbm>>
        %dma_start3A_111 = tpu.memref_slice %arg5[%add3A_109] : memref<163840xi32, #tpu.memory_space<hbm>> -> memref<80xi32, #tpu.memory_space<hbm>>
        tpu.enqueue_dma source(%dma_start3A_111 : memref<80xi32, #tpu.memory_space<hbm>>) target(%arg14 : memref<80xi32, #tpu.memory_space<vmem>>) target_semaphore(%arg25 : memref<!tpu.dma_semaphore, #tpu.memory_space<semaphore_mem>>)
        %mul3A_112 = arith.constant 80 : i32
        %mul3A_113 = arith.muli %add3A_106, %mul3A_112 : i32
        %dma_start3A_114 = tpu.memref_slice %arg10[%mul3A_113] : memref<5120xi32, #tpu.memory_space<vmem>> -> memref<80xi32, #tpu.memory_space<vmem>>
        %dma_start3A_115 = arith.constant 0 : i32
        %dma_start3A_116 = arith.constant 0 : i32
        %dma_start3A_117 = tpu.memref_slice %arg2[%dma_start3A_115, %dma_start3A_116] : memref<10000x128xf32, #tpu.memory_space<hbm>> -> memref<10000x128xf32, #tpu.memory_space<hbm>>
        tpu.enqueue_indirect_dma source(%dma_start3A_117 : memref<10000x128xf32, #tpu.memory_space<hbm>>) target(%arg17 : memref<80x128xf32, #tpu.memory_space<vmem>>) offsets(%dma_start3A_114 : memref<80xi32, #tpu.memory_space<vmem>>) semaphore(%arg25 : memref<!tpu.dma_semaphore, #tpu.memory_space<semaphore_mem>>)
        %mul3A_118 = arith.constant 80 : i32
        %mul3A_119 = arith.muli %add3A_106, %mul3A_118 : i32
        %dma_start3A_120 = tpu.memref_slice %arg11[%mul3A_119] : memref<5120xi32, #tpu.memory_space<vmem>> -> memref<80xi32, #tpu.memory_space<vmem>>
        %dma_start3A_121 = arith.constant 0 : i32
        %dma_start3A_122 = arith.constant 0 : i32
        %dma_start3A_123 = tpu.memref_slice %arg3[%dma_start3A_121, %dma_start3A_122] : memref<10000x128xf32, #tpu.memory_space<hbm>> -> memref<10000x128xf32, #tpu.memory_space<hbm>>
        tpu.enqueue_indirect_dma source(%dma_start3A_123 : memref<10000x128xf32, #tpu.memory_space<hbm>>) target(%arg19 : memref<80x128xf32, #tpu.memory_space<vmem>>) offsets(%dma_start3A_120 : memref<80xi32, #tpu.memory_space<vmem>>) semaphore(%arg25 : memref<!tpu.dma_semaphore, #tpu.memory_space<semaphore_mem>>)
      } else {
      }
      %mul3A_47 = arith.constant 80 : i32
      %mul3A_48 = arith.muli %add3A_40, %mul3A_47 : i32
      %add3A_49 = arith.addi %mul3A_2, %mul3A_48 : i32
      %dma_wait3A = tpu.memref_slice %arg5[%add3A_49] : memref<163840xi32, #tpu.memory_space<hbm>> -> memref<80xi32, #tpu.memory_space<hbm>>
      %dma_wait3A_50 = tpu.memref_slice %arg5[%add3A_49] : memref<163840xi32, #tpu.memory_space<hbm>> -> memref<80xi32, #tpu.memory_space<hbm>>
      tpu.wait_dma2 semaphore(%arg24 : memref<!tpu.dma_semaphore, #tpu.memory_space<semaphore_mem>>) src(%dma_wait3A_50 : memref<80xi32, #tpu.memory_space<hbm>>) dst(%arg13 : memref<80xi32, #tpu.memory_space<vmem>>)
      %mul3A_51 = arith.constant 80 : i32
      %mul3A_52 = arith.muli %add3A_40, %mul3A_51 : i32
      %dma_wait3A_53 = tpu.memref_slice %arg10[%mul3A_52] : memref<5120xi32, #tpu.memory_space<vmem>> -> memref<80xi32, #tpu.memory_space<vmem>>
      %dma_wait3A_54 = arith.constant 0 : i32
      %dma_wait3A_55 = arith.constant 0 : i32
      %dma_wait3A_56 = tpu.memref_slice %arg2[%dma_wait3A_54, %dma_wait3A_55] : memref<10000x128xf32, #tpu.memory_space<hbm>> -> memref<10000x128xf32, #tpu.memory_space<hbm>>
      tpu.wait_indirect_dma semaphore(%arg24 : memref<!tpu.dma_semaphore, #tpu.memory_space<semaphore_mem>>) src(%dma_wait3A_56 : memref<10000x128xf32, #tpu.memory_space<hbm>>) dst(%arg16 : memref<80x128xf32, #tpu.memory_space<vmem>>)
      %mul3A_57 = arith.constant 80 : i32
      %mul3A_58 = arith.muli %add3A_40, %mul3A_57 : i32
      %dma_wait3A_59 = tpu.memref_slice %arg11[%mul3A_58] : memref<5120xi32, #tpu.memory_space<vmem>> -> memref<80xi32, #tpu.memory_space<vmem>>
      %dma_wait3A_60 = arith.constant 0 : i32
      %dma_wait3A_61 = arith.constant 0 : i32
      %dma_wait3A_62 = tpu.memref_slice %arg3[%dma_wait3A_60, %dma_wait3A_61] : memref<10000x128xf32, #tpu.memory_space<hbm>> -> memref<10000x128xf32, #tpu.memory_space<hbm>>
      tpu.wait_indirect_dma semaphore(%arg24 : memref<!tpu.dma_semaphore, #tpu.memory_space<semaphore_mem>>) src(%dma_wait3A_62 : memref<10000x128xf32, #tpu.memory_space<hbm>>) dst(%arg18 : memref<80x128xf32, #tpu.memory_space<vmem>>)
      %mul3A_63 = arith.constant 80 : i32
      %mul3A_64 = arith.muli %add3A_40, %mul3A_63 : i32
      %add3A_65 = arith.addi %mul3A_2, %mul3A_64 : i32
      %scan3A_66 = arith.constant 0 : i32
      %scan3A_67 = arith.constant 5 : i32
      %scan3A_68 = arith.addi %scan3A_66, %scan3A_67 : i32
      %scan3A_69 = arith.constant 1 : i32
      scf.for %scan3A_105 = %scan3A_66 to %scan3A_68 step %scan3A_69  : i32 {
        %mul3A_106 = arith.constant 1 : i32
        %mul3A_107 = arith.muli %scan3A_105, %mul3A_106 : i32
        %add3A_108 = arith.constant 0 : i32
        %add3A_109 = arith.addi %add3A_108, %mul3A_107 : i32
        %scan3A_110 = arith.constant 0 : i32
        %scan3A_111 = arith.constant 16 : i32
        %scan3A_112 = arith.addi %scan3A_110, %scan3A_111 : i32
        %scan3A_113 = arith.constant 1 : i32
        scf.for %scan3A_273 = %scan3A_110 to %scan3A_112 step %scan3A_113  : i32 {
          %mul3A_274 = arith.constant 1 : i32
          %mul3A_275 = arith.muli %scan3A_273, %mul3A_274 : i32
          %add3A_276 = arith.constant 0 : i32
          %add3A_277 = arith.addi %add3A_276, %mul3A_275 : i32
          %mul3A_278 = arith.constant 16 : i32
          %mul3A_279 = arith.muli %add3A_109, %mul3A_278 : i32
          %add3A_280 = arith.addi %mul3A_279, %add3A_277 : i32
          %broadcast_in_dim3A_281 = vector.broadcast %add3A_280 : i32 to vector<16xi32>
          %broadcast_in_dim3A_282 = arith.constant 0.000000e+00 : f32
          %broadcast_in_dim3A_283 = vector.broadcast %broadcast_in_dim3A_282 : f32 to vector<16xf32>
          %scan3A_284 = arith.constant 0 : i32
          %mul3A_285 = arith.constant 16 : i32
          %mul3A_286 = arith.muli %scan3A_284, %mul3A_285 : i32
          %add3A_287 = vector.broadcast %mul3A_286 : i32 to vector<16xi32>
          %add3A_288 = arith.addi %add3A_287, %iota3A : vector<16xi32>
          %gather3A_289 = tpu.vector_load_idx %arg16[%broadcast_in_dim3A_281, %add3A_288] : memref<80x128xf32, #tpu.memory_space<vmem>>[vector<16xi32>, vector<16xi32>], vector<16xf32>,
          %gather3A_290 = tpu.vector_load_idx %arg18[%broadcast_in_dim3A_281, %add3A_288] : memref<80x128xf32, #tpu.memory_space<vmem>>[vector<16xi32>, vector<16xi32>], vector<16xf32>,
          %bitcast3A = vector.bitcast %gather3A_289 : vector<16xf32> to vector<32xbf16>
          %bitcast3A_291 = vector.bitcast %gather3A_290 : vector<16xf32> to vector<32xbf16>
          %mul3A_292 = arith.mulf %bitcast3A, %bitcast3A_291 : vector<32xbf16>
          %unpack3A = tpu.unpack_subelements %mul3A_292, 0 {pack_format = #tpu.pack_format<interleaved>} : vector<32xbf16> -> vector<16xf32>
          %unpack3A_293 = tpu.unpack_subelements %mul3A_292, 1 {pack_format = #tpu.pack_format<interleaved>} : vector<32xbf16> -> vector<16xf32>
          %add3A_294 = arith.addf %broadcast_in_dim3A_283, %unpack3A : vector<16xf32>
          %add3A_295 = arith.addf %add3A_294, %unpack3A_293 : vector<16xf32>
          %scan3A_296 = arith.constant 1 : i32
          %mul3A_297 = arith.constant 16 : i32
          %mul3A_298 = arith.muli %scan3A_296, %mul3A_297 : i32
          %add3A_299 = vector.broadcast %mul3A_298 : i32 to vector<16xi32>
          %add3A_300 = arith.addi %add3A_299, %iota3A : vector<16xi32>
          %gather3A_301 = tpu.vector_load_idx %arg16[%broadcast_in_dim3A_281, %add3A_300] : memref<80x128xf32, #tpu.memory_space<vmem>>[vector<16xi32>, vector<16xi32>], vector<16xf32>,
          %gather3A_302 = tpu.vector_load_idx %arg18[%broadcast_in_dim3A_281, %add3A_300] : memref<80x128xf32, #tpu.memory_space<vmem>>[vector<16xi32>, vector<16xi32>], vector<16xf32>,
          %bitcast3A_303 = vector.bitcast %gather3A_301 : vector<16xf32> to vector<32xbf16>
          %bitcast3A_304 = vector.bitcast %gather3A_302 : vector<16xf32> to vector<32xbf16>
          %mul3A_305 = arith.mulf %bitcast3A_303, %bitcast3A_304 : vector<32xbf16>
          %unpack3A_306 = tpu.unpack_subelements %mul3A_305, 0 {pack_format = #tpu.pack_format<interleaved>} : vector<32xbf16> -> vector<16xf32>
          %unpack3A_307 = tpu.unpack_subelements %mul3A_305, 1 {pack_format = #tpu.pack_format<interleaved>} : vector<32xbf16> -> vector<16xf32>
          %add3A_308 = arith.addf %add3A_295, %unpack3A_306 : vector<16xf32>
          %add3A_309 = arith.addf %add3A_308, %unpack3A_307 : vector<16xf32>
          %scan3A_310 = arith.constant 2 : i32
          %mul3A_311 = arith.constant 16 : i32
          %mul3A_312 = arith.muli %scan3A_310, %mul3A_311 : i32
          %add3A_313 = vector.broadcast %mul3A_312 : i32 to vector<16xi32>
          %add3A_314 = arith.addi %add3A_313, %iota3A : vector<16xi32>
          %gather3A_315 = tpu.vector_load_idx %arg16[%broadcast_in_dim3A_281, %add3A_314] : memref<80x128xf32, #tpu.memory_space<vmem>>[vector<16xi32>, vector<16xi32>], vector<16xf32>,
          %gather3A_316 = tpu.vector_load_idx %arg18[%broadcast_in_dim3A_281, %add3A_314] : memref<80x128xf32, #tpu.memory_space<vmem>>[vector<16xi32>, vector<16xi32>], vector<16xf32>,
          %bitcast3A_317 = vector.bitcast %gather3A_315 : vector<16xf32> to vector<32xbf16>
          %bitcast3A_318 = vector.bitcast %gather3A_316 : vector<16xf32> to vector<32xbf16>
          %mul3A_319 = arith.mulf %bitcast3A_317, %bitcast3A_318 : vector<32xbf16>
          %unpack3A_320 = tpu.unpack_subelements %mul3A_319, 0 {pack_format = #tpu.pack_format<interleaved>} : vector<32xbf16> -> vector<16xf32>
          %unpack3A_321 = tpu.unpack_subelements %mul3A_319, 1 {pack_format = #tpu.pack_format<interleaved>} : vector<32xbf16> -> vector<16xf32>
          %add3A_322 = arith.addf %add3A_309, %unpack3A_320 : vector<16xf32>
          %add3A_323 = arith.addf %add3A_322, %unpack3A_321 : vector<16xf32>
          %scan3A_324 = arith.constant 3 : i32
          %mul3A_325 = arith.constant 16 : i32
          %mul3A_326 = arith.muli %scan3A_324, %mul3A_325 : i32
          %add3A_327 = vector.broadcast %mul3A_326 : i32 to vector<16xi32>
          %add3A_328 = arith.addi %add3A_327, %iota3A : vector<16xi32>
          %gather3A_329 = tpu.vector_load_idx %arg16[%broadcast_in_dim3A_281, %add3A_328] : memref<80x128xf32, #tpu.memory_space<vmem>>[vector<16xi32>, vector<16xi32>], vector<16xf32>,
          %gather3A_330 = tpu.vector_load_idx %arg18[%broadcast_in_dim3A_281, %add3A_328] : memref<80x128xf32, #tpu.memory_space<vmem>>[vector<16xi32>, vector<16xi32>], vector<16xf32>,
          %bitcast3A_331 = vector.bitcast %gather3A_329 : vector<16xf32> to vector<32xbf16>
          %bitcast3A_332 = vector.bitcast %gather3A_330 : vector<16xf32> to vector<32xbf16>
          %mul3A_333 = arith.mulf %bitcast3A_331, %bitcast3A_332 : vector<32xbf16>
          %unpack3A_334 = tpu.unpack_subelements %mul3A_333, 0 {pack_format = #tpu.pack_format<interleaved>} : vector<32xbf16> -> vector<16xf32>
          %unpack3A_335 = tpu.unpack_subelements %mul3A_333, 1 {pack_format = #tpu.pack_format<interleaved>} : vector<32xbf16> -> vector<16xf32>
          %add3A_336 = arith.addf %add3A_323, %unpack3A_334 : vector<16xf32>
          %add3A_337 = arith.addf %add3A_336, %unpack3A_335 : vector<16xf32>
          %scan3A_338 = arith.constant 4 : i32
          %mul3A_339 = arith.constant 16 : i32
          %mul3A_340 = arith.muli %scan3A_338, %mul3A_339 : i32
          %add3A_341 = vector.broadcast %mul3A_340 : i32 to vector<16xi32>
          %add3A_342 = arith.addi %add3A_341, %iota3A : vector<16xi32>
          %gather3A_343 = tpu.vector_load_idx %arg16[%broadcast_in_dim3A_281, %add3A_342] : memref<80x128xf32, #tpu.memory_space<vmem>>[vector<16xi32>, vector<16xi32>], vector<16xf32>,
          %gather3A_344 = tpu.vector_load_idx %arg18[%broadcast_in_dim3A_281, %add3A_342] : memref<80x128xf32, #tpu.memory_space<vmem>>[vector<16xi32>, vector<16xi32>], vector<16xf32>,
          %bitcast3A_345 = vector.bitcast %gather3A_343 : vector<16xf32> to vector<32xbf16>
          %bitcast3A_346 = vector.bitcast %gather3A_344 : vector<16xf32> to vector<32xbf16>
          %mul3A_347 = arith.mulf %bitcast3A_345, %bitcast3A_346 : vector<32xbf16>
          %unpack3A_348 = tpu.unpack_subelements %mul3A_347, 0 {pack_format = #tpu.pack_format<interleaved>} : vector<32xbf16> -> vector<16xf32>
          %unpack3A_349 = tpu.unpack_subelements %mul3A_347, 1 {pack_format = #tpu.pack_format<interleaved>} : vector<32xbf16> -> vector<16xf32>
          %add3A_350 = arith.addf %add3A_337, %unpack3A_348 : vector<16xf32>
          %add3A_351 = arith.addf %add3A_350, %unpack3A_349 : vector<16xf32>
          %scan3A_352 = arith.constant 5 : i32
          %mul3A_353 = arith.constant 16 : i32
          %mul3A_354 = arith.muli %scan3A_352, %mul3A_353 : i32
          %add3A_355 = vector.broadcast %mul3A_354 : i32 to vector<16xi32>
          %add3A_356 = arith.addi %add3A_355, %iota3A : vector<16xi32>
          %gather3A_357 = tpu.vector_load_idx %arg16[%broadcast_in_dim3A_281, %add3A_356] : memref<80x128xf32, #tpu.memory_space<vmem>>[vector<16xi32>, vector<16xi32>], vector<16xf32>,
          %gather3A_358 = tpu.vector_load_idx %arg18[%broadcast_in_dim3A_281, %add3A_356] : memref<80x128xf32, #tpu.memory_space<vmem>>[vector<16xi32>, vector<16xi32>], vector<16xf32>,
          %bitcast3A_359 = vector.bitcast %gather3A_357 : vector<16xf32> to vector<32xbf16>
          %bitcast3A_360 = vector.bitcast %gather3A_358 : vector<16xf32> to vector<32xbf16>
          %mul3A_361 = arith.mulf %bitcast3A_359, %bitcast3A_360 : vector<32xbf16>
          %unpack3A_362 = tpu.unpack_subelements %mul3A_361, 0 {pack_format = #tpu.pack_format<interleaved>} : vector<32xbf16> -> vector<16xf32>
          %unpack3A_363 = tpu.unpack_subelements %mul3A_361, 1 {pack_format = #tpu.pack_format<interleaved>} : vector<32xbf16> -> vector<16xf32>
          %add3A_364 = arith.addf %add3A_351, %unpack3A_362 : vector<16xf32>
          %add3A_365 = arith.addf %add3A_364, %unpack3A_363 : vector<16xf32>
          %scan3A_366 = arith.constant 6 : i32
          %mul3A_367 = arith.constant 16 : i32
          %mul3A_368 = arith.muli %scan3A_366, %mul3A_367 : i32
          %add3A_369 = vector.broadcast %mul3A_368 : i32 to vector<16xi32>
          %add3A_370 = arith.addi %add3A_369, %iota3A : vector<16xi32>
          %gather3A_371 = tpu.vector_load_idx %arg16[%broadcast_in_dim3A_281, %add3A_370] : memref<80x128xf32, #tpu.memory_space<vmem>>[vector<16xi32>, vector<16xi32>], vector<16xf32>,
          %gather3A_372 = tpu.vector_load_idx %arg18[%broadcast_in_dim3A_281, %add3A_370] : memref<80x128xf32, #tpu.memory_space<vmem>>[vector<16xi32>, vector<16xi32>], vector<16xf32>,
          %bitcast3A_373 = vector.bitcast %gather3A_371 : vector<16xf32> to vector<32xbf16>
          %bitcast3A_374 = vector.bitcast %gather3A_372 : vector<16xf32> to vector<32xbf16>
          %mul3A_375 = arith.mulf %bitcast3A_373, %bitcast3A_374 : vector<32xbf16>
          %unpack3A_376 = tpu.unpack_subelements %mul3A_375, 0 {pack_format = #tpu.pack_format<interleaved>} : vector<32xbf16> -> vector<16xf32>
          %unpack3A_377 = tpu.unpack_subelements %mul3A_375, 1 {pack_format = #tpu.pack_format<interleaved>} : vector<32xbf16> -> vector<16xf32>
          %add3A_378 = arith.addf %add3A_365, %unpack3A_376 : vector<16xf32>
          %add3A_379 = arith.addf %add3A_378, %unpack3A_377 : vector<16xf32>
          %scan3A_380 = arith.constant 7 : i32
          %mul3A_381 = arith.constant 16 : i32
          %mul3A_382 = arith.muli %scan3A_380, %mul3A_381 : i32
          %add3A_383 = vector.broadcast %mul3A_382 : i32 to vector<16xi32>
          %add3A_384 = arith.addi %add3A_383, %iota3A : vector<16xi32>
          %gather3A_385 = tpu.vector_load_idx %arg16[%broadcast_in_dim3A_281, %add3A_384] : memref<80x128xf32, #tpu.memory_space<vmem>>[vector<16xi32>, vector<16xi32>], vector<16xf32>,
          %gather3A_386 = tpu.vector_load_idx %arg18[%broadcast_in_dim3A_281, %add3A_384] : memref<80x128xf32, #tpu.memory_space<vmem>>[vector<16xi32>, vector<16xi32>], vector<16xf32>,
          %bitcast3A_387 = vector.bitcast %gather3A_385 : vector<16xf32> to vector<32xbf16>
          %bitcast3A_388 = vector.bitcast %gather3A_386 : vector<16xf32> to vector<32xbf16>
          %mul3A_389 = arith.mulf %bitcast3A_387, %bitcast3A_388 : vector<32xbf16>
          %unpack3A_390 = tpu.unpack_subelements %mul3A_389, 0 {pack_format = #tpu.pack_format<interleaved>} : vector<32xbf16> -> vector<16xf32>
          %unpack3A_391 = tpu.unpack_subelements %mul3A_389, 1 {pack_format = #tpu.pack_format<interleaved>} : vector<32xbf16> -> vector<16xf32>
          %add3A_392 = arith.addf %add3A_379, %unpack3A_390 : vector<16xf32>
          %add3A_393 = arith.addf %add3A_392, %unpack3A_391 : vector<16xf32>
          %scan3A_394 = arith.constant 8 : i32
          %mul3A_395 = arith.constant 17 : i32
          %mul3A_396 = arith.muli %mul3A_395, %add3A_277 : i32
          %swap3A_397 = arith.index_cast %mul3A_396 : i32 to index
          %swap3A_398 = tpu.vector_load %arg22[%swap3A_397] {strides = array<i32>} : memref<272xf32, #tpu.memory_space<vmem>>, vector<16xf32>,
          tpu.vector_store %arg22[%swap3A_397], %add3A_393 {strides = array<i32>} : memref<272xf32, #tpu.memory_space<vmem>>, vector<16xf32>,
        }
        %scan3A_114 = arith.constant 16 : i32
        %broadcast_in_dim3A = arith.constant 0.000000e+00 : f32
        %broadcast_in_dim3A_115 = vector.broadcast %broadcast_in_dim3A : f32 to vector<16xf32>
        %mul3A_116 = arith.constant 17 : i32
        %mul3A_117 = vector.broadcast %mul3A_116 : i32 to vector<16xi32>
        %mul3A_118 = arith.muli %mul3A_117, %iota3A : vector<16xi32>
        %add3A_119 = arith.constant 0 : i32
        %add3A_120 = vector.broadcast %add3A_119 : i32 to vector<16xi32>
        %add3A_121 = arith.addi %mul3A_118, %add3A_120 : vector<16xi32>
        %gather3A = tpu.vector_load_idx %arg22[%add3A_121] : memref<272xf32, #tpu.memory_space<vmem>>[vector<16xi32>], vector<16xf32>,
        %add3A_122 = arith.addf %broadcast_in_dim3A_115, %gather3A : vector<16xf32>
        %mul3A_123 = arith.constant 17 : i32
        %mul3A_124 = vector.broadcast %mul3A_123 : i32 to vector<16xi32>
        %mul3A_125 = arith.muli %mul3A_124, %iota3A : vector<16xi32>
        %add3A_126 = arith.constant 1 : i32
        %add3A_127 = vector.broadcast %add3A_126 : i32 to vector<16xi32>
        %add3A_128 = arith.addi %mul3A_125, %add3A_127 : vector<16xi32>
        %gather3A_129 = tpu.vector_load_idx %arg22[%add3A_128] : memref<272xf32, #tpu.memory_space<vmem>>[vector<16xi32>], vector<16xf32>,
        %add3A_130 = arith.addf %add3A_122, %gather3A_129 : vector<16xf32>
        %mul3A_131 = arith.constant 17 : i32
        %mul3A_132 = vector.broadcast %mul3A_131 : i32 to vector<16xi32>
        %mul3A_133 = arith.muli %mul3A_132, %iota3A : vector<16xi32>
        %add3A_134 = arith.constant 2 : i32
        %add3A_135 = vector.broadcast %add3A_134 : i32 to vector<16xi32>
        %add3A_136 = arith.addi %mul3A_133, %add3A_135 : vector<16xi32>
        %gather3A_137 = tpu.vector_load_idx %arg22[%add3A_136] : memref<272xf32, #tpu.memory_space<vmem>>[vector<16xi32>], vector<16xf32>,
        %add3A_138 = arith.addf %add3A_130, %gather3A_137 : vector<16xf32>
        %mul3A_139 = arith.constant 17 : i32
        %mul3A_140 = vector.broadcast %mul3A_139 : i32 to vector<16xi32>
        %mul3A_141 = arith.muli %mul3A_140, %iota3A : vector<16xi32>
        %add3A_142 = arith.constant 3 : i32
        %add3A_143 = vector.broadcast %add3A_142 : i32 to vector<16xi32>
        %add3A_144 = arith.addi %mul3A_141, %add3A_143 : vector<16xi32>
        %gather3A_145 = tpu.vector_load_idx %arg22[%add3A_144] : memref<272xf32, #tpu.memory_space<vmem>>[vector<16xi32>], vector<16xf32>,
        %add3A_146 = arith.addf %add3A_138, %gather3A_145 : vector<16xf32>
        %mul3A_147 = arith.constant 17 : i32
        %mul3A_148 = vector.broadcast %mul3A_147 : i32 to vector<16xi32>
        %mul3A_149 = arith.muli %mul3A_148, %iota3A : vector<16xi32>
        %add3A_150 = arith.constant 4 : i32
        %add3A_151 = vector.broadcast %add3A_150 : i32 to vector<16xi32>
        %add3A_152 = arith.addi %mul3A_149, %add3A_151 : vector<16xi32>
        %gather3A_153 = tpu.vector_load_idx %arg22[%add3A_152] : memref<272xf32, #tpu.memory_space<vmem>>[vector<16xi32>], vector<16xf32>,
        %add3A_154 = arith.addf %add3A_146, %gather3A_153 : vector<16xf32>
        %mul3A_155 = arith.constant 17 : i32
        %mul3A_156 = vector.broadcast %mul3A_155 : i32 to vector<16xi32>
        %mul3A_157 = arith.muli %mul3A_156, %iota3A : vector<16xi32>
        %add3A_158 = arith.constant 5 : i32
        %add3A_159 = vector.broadcast %add3A_158 : i32 to vector<16xi32>
        %add3A_160 = arith.addi %mul3A_157, %add3A_159 : vector<16xi32>
        %gather3A_161 = tpu.vector_load_idx %arg22[%add3A_160] : memref<272xf32, #tpu.memory_space<vmem>>[vector<16xi32>], vector<16xf32>,
        %add3A_162 = arith.addf %add3A_154, %gather3A_161 : vector<16xf32>
        %mul3A_163 = arith.constant 17 : i32
        %mul3A_164 = vector.broadcast %mul3A_163 : i32 to vector<16xi32>
        %mul3A_165 = arith.muli %mul3A_164, %iota3A : vector<16xi32>
        %add3A_166 = arith.constant 6 : i32
        %add3A_167 = vector.broadcast %add3A_166 : i32 to vector<16xi32>
        %add3A_168 = arith.addi %mul3A_165, %add3A_167 : vector<16xi32>
        %gather3A_169 = tpu.vector_load_idx %arg22[%add3A_168] : memref<272xf32, #tpu.memory_space<vmem>>[vector<16xi32>], vector<16xf32>,
        %add3A_170 = arith.addf %add3A_162, %gather3A_169 : vector<16xf32>
        %mul3A_171 = arith.constant 17 : i32
        %mul3A_172 = vector.broadcast %mul3A_171 : i32 to vector<16xi32>
        %mul3A_173 = arith.muli %mul3A_172, %iota3A : vector<16xi32>
        %add3A_174 = arith.constant 7 : i32
        %add3A_175 = vector.broadcast %add3A_174 : i32 to vector<16xi32>
        %add3A_176 = arith.addi %mul3A_173, %add3A_175 : vector<16xi32>
        %gather3A_177 = tpu.vector_load_idx %arg22[%add3A_176] : memref<272xf32, #tpu.memory_space<vmem>>[vector<16xi32>], vector<16xf32>,
        %add3A_178 = arith.addf %add3A_170, %gather3A_177 : vector<16xf32>
        %mul3A_179 = arith.constant 17 : i32
        %mul3A_180 = vector.broadcast %mul3A_179 : i32 to vector<16xi32>
        %mul3A_181 = arith.muli %mul3A_180, %iota3A : vector<16xi32>
        %add3A_182 = arith.constant 8 : i32
        %add3A_183 = vector.broadcast %add3A_182 : i32 to vector<16xi32>
        %add3A_184 = arith.addi %mul3A_181, %add3A_183 : vector<16xi32>
        %gather3A_185 = tpu.vector_load_idx %arg22[%add3A_184] : memref<272xf32, #tpu.memory_space<vmem>>[vector<16xi32>], vector<16xf32>,
        %add3A_186 = arith.addf %add3A_178, %gather3A_185 : vector<16xf32>
        %mul3A_187 = arith.constant 17 : i32
        %mul3A_188 = vector.broadcast %mul3A_187 : i32 to vector<16xi32>
        %mul3A_189 = arith.muli %mul3A_188, %iota3A : vector<16xi32>
        %add3A_190 = arith.constant 9 : i32
        %add3A_191 = vector.broadcast %add3A_190 : i32 to vector<16xi32>
        %add3A_192 = arith.addi %mul3A_189, %add3A_191 : vector<16xi32>
        %gather3A_193 = tpu.vector_load_idx %arg22[%add3A_192] : memref<272xf32, #tpu.memory_space<vmem>>[vector<16xi32>], vector<16xf32>,
        %add3A_194 = arith.addf %add3A_186, %gather3A_193 : vector<16xf32>
        %mul3A_195 = arith.constant 17 : i32
        %mul3A_196 = vector.broadcast %mul3A_195 : i32 to vector<16xi32>
        %mul3A_197 = arith.muli %mul3A_196, %iota3A : vector<16xi32>
        %add3A_198 = arith.constant 10 : i32
        %add3A_199 = vector.broadcast %add3A_198 : i32 to vector<16xi32>
        %add3A_200 = arith.addi %mul3A_197, %add3A_199 : vector<16xi32>
        %gather3A_201 = tpu.vector_load_idx %arg22[%add3A_200] : memref<272xf32, #tpu.memory_space<vmem>>[vector<16xi32>], vector<16xf32>,
        %add3A_202 = arith.addf %add3A_194, %gather3A_201 : vector<16xf32>
        %mul3A_203 = arith.constant 17 : i32
        %mul3A_204 = vector.broadcast %mul3A_203 : i32 to vector<16xi32>
        %mul3A_205 = arith.muli %mul3A_204, %iota3A : vector<16xi32>
        %add3A_206 = arith.constant 11 : i32
        %add3A_207 = vector.broadcast %add3A_206 : i32 to vector<16xi32>
        %add3A_208 = arith.addi %mul3A_205, %add3A_207 : vector<16xi32>
        %gather3A_209 = tpu.vector_load_idx %arg22[%add3A_208] : memref<272xf32, #tpu.memory_space<vmem>>[vector<16xi32>], vector<16xf32>,
        %add3A_210 = arith.addf %add3A_202, %gather3A_209 : vector<16xf32>
        %mul3A_211 = arith.constant 17 : i32
        %mul3A_212 = vector.broadcast %mul3A_211 : i32 to vector<16xi32>
        %mul3A_213 = arith.muli %mul3A_212, %iota3A : vector<16xi32>
        %add3A_214 = arith.constant 12 : i32
        %add3A_215 = vector.broadcast %add3A_214 : i32 to vector<16xi32>
        %add3A_216 = arith.addi %mul3A_213, %add3A_215 : vector<16xi32>
        %gather3A_217 = tpu.vector_load_idx %arg22[%add3A_216] : memref<272xf32, #tpu.memory_space<vmem>>[vector<16xi32>], vector<16xf32>,
        %add3A_218 = arith.addf %add3A_210, %gather3A_217 : vector<16xf32>
        %mul3A_219 = arith.constant 17 : i32
        %mul3A_220 = vector.broadcast %mul3A_219 : i32 to vector<16xi32>
        %mul3A_221 = arith.muli %mul3A_220, %iota3A : vector<16xi32>
        %add3A_222 = arith.constant 13 : i32
        %add3A_223 = vector.broadcast %add3A_222 : i32 to vector<16xi32>
        %add3A_224 = arith.addi %mul3A_221, %add3A_223 : vector<16xi32>
        %gather3A_225 = tpu.vector_load_idx %arg22[%add3A_224] : memref<272xf32, #tpu.memory_space<vmem>>[vector<16xi32>], vector<16xf32>,
        %add3A_226 = arith.addf %add3A_218, %gather3A_225 : vector<16xf32>
        %mul3A_227 = arith.constant 17 : i32
        %mul3A_228 = vector.broadcast %mul3A_227 : i32 to vector<16xi32>
        %mul3A_229 = arith.muli %mul3A_228, %iota3A : vector<16xi32>
        %add3A_230 = arith.constant 14 : i32
        %add3A_231 = vector.broadcast %add3A_230 : i32 to vector<16xi32>
        %add3A_232 = arith.addi %mul3A_229, %add3A_231 : vector<16xi32>
        %gather3A_233 = tpu.vector_load_idx %arg22[%add3A_232] : memref<272xf32, #tpu.memory_space<vmem>>[vector<16xi32>], vector<16xf32>,
        %add3A_234 = arith.addf %add3A_226, %gather3A_233 : vector<16xf32>
        %mul3A_235 = arith.constant 17 : i32
        %mul3A_236 = vector.broadcast %mul3A_235 : i32 to vector<16xi32>
        %mul3A_237 = arith.muli %mul3A_236, %iota3A : vector<16xi32>
        %add3A_238 = arith.constant 15 : i32
        %add3A_239 = vector.broadcast %add3A_238 : i32 to vector<16xi32>
        %add3A_240 = arith.addi %mul3A_237, %add3A_239 : vector<16xi32>
        %gather3A_241 = tpu.vector_load_idx %arg22[%add3A_240] : memref<272xf32, #tpu.memory_space<vmem>>[vector<16xi32>], vector<16xf32>,
        %add3A_242 = arith.addf %add3A_234, %gather3A_241 : vector<16xf32>
        %mul3A_243 = arith.constant 80 : i32
        %mul3A_244 = arith.muli %add3A_40, %mul3A_243 : i32
        %mul3A_245 = arith.constant 16 : i32
        %mul3A_246 = arith.muli %add3A_109, %mul3A_245 : i32
        %add3A_247 = arith.addi %mul3A_244, %mul3A_246 : i32
        %get3A_248 = arith.index_cast %add3A_247 : i32 to index
        %get3A_249 = tpu.vector_load %arg12[%get3A_248] {strides = array<i32>} : memref<5120xf32, #tpu.memory_space<vmem>>, vector<16xf32>,
        %mul3A_250 = arith.constant 1.250000e-01 : f32
        %mul3A_251 = vector.broadcast %mul3A_250 : f32 to vector<16xf32>
        %mul3A_252 = arith.mulf %add3A_242, %mul3A_251 : vector<16xf32>
        %add3A_253 = arith.constant 1.000000e+00 : f32
        %add3A_254 = vector.broadcast %add3A_253 : f32 to vector<16xf32>
        %add3A_255 = arith.addf %get3A_249, %add3A_254 : vector<16xf32>
        %mul3A_256 = arith.mulf %get3A_9, %add3A_255 : vector<16xf32>
        %mul3A_257 = arith.constant 5.000000e-01 : f32
        %mul3A_258 = vector.broadcast %mul3A_257 : f32 to vector<16xf32>
        %mul3A_259 = arith.mulf %mul3A_256, %mul3A_258 : vector<16xf32>
        %add3A_260 = arith.addf %mul3A_252, %mul3A_259 : vector<16xf32>
        %mul3A_261 = arith.constant 16 : i32
        %mul3A_262 = arith.muli %add3A_109, %mul3A_261 : i32
        %add3A_263 = arith.addi %add3A_65, %mul3A_262 : i32
        %add3A_264 = vector.broadcast %add3A_263 : i32 to vector<16xi32>
        %add3A_265 = arith.addi %add3A_264, %iota3A : vector<16xi32>
        %lt3A_266 = arith.constant 160000 : i32
        %lt3A_267 = vector.broadcast %lt3A_266 : i32 to vector<16xi32>
        %lt3A_268 = arith.cmpi slt, %add3A_265, %lt3A_267 : vector<16xi32>
        %exp3A = math.exp %add3A_260 : vector<16xf32>
        %jit3A = arith.constant 0.000000e+00 : f32
        %broadcast_in_dim3A_269 = vector.broadcast %jit3A : f32 to vector<16xf32>
        %select_n3A = arith.select %lt3A_268, %exp3A, %broadcast_in_dim3A_269 : vector<16xi1>, vector<16xf32>
        %mul3A_270 = arith.constant 16 : i32
        %mul3A_271 = arith.muli %add3A_109, %mul3A_270 : i32
        %swap3A = arith.index_cast %mul3A_271 : i32 to index
        %swap3A_272 = tpu.vector_load %arg15[%swap3A] {strides = array<i32>} : memref<80xf32, #tpu.memory_space<vmem>>, vector<16xf32>,
        tpu.vector_store %arg15[%swap3A], %select_n3A {strides = array<i32>} : memref<80xf32, #tpu.memory_space<vmem>>, vector<16xf32>,
      }
      %scan3A_70 = arith.constant 5 : i32
      "tpu.region"() ({
        %run_scoped3A = tpu.sem_alloc : memref<!tpu.dma_semaphore, #tpu.memory_space<semaphore_mem>>
        %dma_start3A_105 = arith.constant 0 : i32
        %dma_start3A_106 = tpu.memref_slice %arg23[%dma_start3A_105] : memref<10000xf32, #tpu.memory_space<vmem_shared>> -> memref<10000xf32, #tpu.memory_space<vmem_shared>>
        tpu.enqueue_indirect_dma source(%arg15 : memref<80xf32, #tpu.memory_space<vmem>>) target(%dma_start3A_106 : memref<10000xf32, #tpu.memory_space<vmem_shared>>) offsets(%arg13 : memref<80xi32, #tpu.memory_space<vmem>>) semaphore(%run_scoped3A : memref<!tpu.dma_semaphore, #tpu.memory_space<semaphore_mem>>) {add = true}
        %dma_wait3A_107 = arith.constant 0 : i32
        %dma_wait3A_108 = tpu.memref_slice %arg23[%dma_wait3A_107] : memref<10000xf32, #tpu.memory_space<vmem_shared>> -> memref<10000xf32, #tpu.memory_space<vmem_shared>>
        tpu.wait_indirect_dma semaphore(%run_scoped3A : memref<!tpu.dma_semaphore, #tpu.memory_space<semaphore_mem>>) src(%arg15 : memref<80xf32, #tpu.memory_space<vmem>>) dst(%dma_wait3A_108 : memref<10000xf32, #tpu.memory_space<vmem_shared>>)
        tpu.yield
      }) : () -> ()
      "tpu.region"() ({
        %run_scoped3A = tpu.sem_alloc : memref<!tpu.dma_semaphore, #tpu.memory_space<semaphore_mem>>
        %dma_start3A_105 = tpu.memref_slice %arg8[%add3A_65] : memref<163840xf32, #tpu.memory_space<hbm>> -> memref<80xf32, #tpu.memory_space<hbm>>
        %dma_start3A_106 = tpu.memref_slice %arg8[%add3A_65] : memref<163840xf32, #tpu.memory_space<hbm>> -> memref<80xf32, #tpu.memory_space<hbm>>
        tpu.enqueue_dma source(%arg15 : memref<80xf32, #tpu.memory_space<vmem>>) target(%dma_start3A_106 : memref<80xf32, #tpu.memory_space<hbm>>) target_semaphore(%run_scoped3A : memref<!tpu.dma_semaphore, #tpu.memory_space<semaphore_mem>>)
        %dma_wait3A_107 = tpu.memref_slice %arg8[%add3A_65] : memref<163840xf32, #tpu.memory_space<hbm>> -> memref<80xf32, #tpu.memory_space<hbm>>
        %dma_wait3A_108 = tpu.memref_slice %arg8[%add3A_65] : memref<163840xf32, #tpu.memory_space<hbm>> -> memref<80xf32, #tpu.memory_space<hbm>>
        tpu.wait_dma2 semaphore(%run_scoped3A : memref<!tpu.dma_semaphore, #tpu.memory_space<semaphore_mem>>) src(%arg15 : memref<80xf32, #tpu.memory_space<vmem>>) dst(%dma_wait3A_108 : memref<80xf32, #tpu.memory_space<hbm>>)
        tpu.yield
      }) : () -> ()
      %add3A_71 = arith.constant 1 : i32
      %add3A_72 = arith.addi %add3A_38, %add3A_71 : i32
      %add3A_73 = arith.constant 1 : i32
      %add3A_74 = arith.addi %add3A_72, %add3A_73 : i32
      %lt3A_75 = arith.constant 64 : i32
      %lt3A_76 = arith.cmpi slt, %add3A_74, %lt3A_75 : i32
      %convert_element_type3A_77 = arith.extui %lt3A_76 : i1 to i32
      %cond3A_78 = arith.constant 0 : i32
      %cond3A_79 = arith.cmpi ne, %convert_element_type3A_77, %cond3A_78 : i32
      scf.if %cond3A_79 {
        %add3A_105 = arith.constant 1 : i32
        %add3A_106 = arith.addi %add3A_72, %add3A_105 : i32
        %mul3A_107 = arith.constant 80 : i32
        %mul3A_108 = arith.muli %add3A_106, %mul3A_107 : i32
        %add3A_109 = arith.addi %mul3A_2, %mul3A_108 : i32
        %dma_start3A_110 = tpu.memref_slice %arg5[%add3A_109] : memref<163840xi32, #tpu.memory_space<hbm>> -> memref<80xi32, #tpu.memory_space<hbm>>
        %dma_start3A_111 = tpu.memref_slice %arg5[%add3A_109] : memref<163840xi32, #tpu.memory_space<hbm>> -> memref<80xi32, #tpu.memory_space<hbm>>
        tpu.enqueue_dma source(%dma_start3A_111 : memref<80xi32, #tpu.memory_space<hbm>>) target(%arg13 : memref<80xi32, #tpu.memory_space<vmem>>) target_semaphore(%arg24 : memref<!tpu.dma_semaphore, #tpu.memory_space<semaphore_mem>>)
        %mul3A_112 = arith.constant 80 : i32
        %mul3A_113 = arith.muli %add3A_106, %mul3A_112 : i32
        %dma_start3A_114 = tpu.memref_slice %arg10[%mul3A_113] : memref<5120xi32, #tpu.memory_space<vmem>> -> memref<80xi32, #tpu.memory_space<vmem>>
        %dma_start3A_115 = arith.constant 0 : i32
        %dma_start3A_116 = arith.constant 0 : i32
        %dma_start3A_117 = tpu.memref_slice %arg2[%dma_start3A_115, %dma_start3A_116] : memref<10000x128xf32, #tpu.memory_space<hbm>> -> memref<10000x128xf32, #tpu.memory_space<hbm>>
        tpu.enqueue_indirect_dma source(%dma_start3A_117 : memref<10000x128xf32, #tpu.memory_space<hbm>>) target(%arg16 : memref<80x128xf32, #tpu.memory_space<vmem>>) offsets(%dma_start3A_114 : memref<80xi32, #tpu.memory_space<vmem>>) semaphore(%arg24 : memref<!tpu.dma_semaphore, #tpu.memory_space<semaphore_mem>>)
        %mul3A_118 = arith.constant 80 : i32
        %mul3A_119 = arith.muli %add3A_106, %mul3A_118 : i32
        %dma_start3A_120 = tpu.memref_slice %arg11[%mul3A_119] : memref<5120xi32, #tpu.memory_space<vmem>> -> memref<80xi32, #tpu.memory_space<vmem>>
        %dma_start3A_121 = arith.constant 0 : i32
        %dma_start3A_122 = arith.constant 0 : i32
        %dma_start3A_123 = tpu.memref_slice %arg3[%dma_start3A_121, %dma_start3A_122] : memref<10000x128xf32, #tpu.memory_space<hbm>> -> memref<10000x128xf32, #tpu.memory_space<hbm>>
        tpu.enqueue_indirect_dma source(%dma_start3A_123 : memref<10000x128xf32, #tpu.memory_space<hbm>>) target(%arg18 : memref<80x128xf32, #tpu.memory_space<vmem>>) offsets(%dma_start3A_120 : memref<80xi32, #tpu.memory_space<vmem>>) semaphore(%arg24 : memref<!tpu.dma_semaphore, #tpu.memory_space<semaphore_mem>>)
      } else {
      }
      %mul3A_80 = arith.constant 80 : i32
      %mul3A_81 = arith.muli %add3A_72, %mul3A_80 : i32
      %add3A_82 = arith.addi %mul3A_2, %mul3A_81 : i32
      %dma_wait3A_83 = tpu.memref_slice %arg5[%add3A_82] : memref<163840xi32, #tpu.memory_space<hbm>> -> memref<80xi32, #tpu.memory_space<hbm>>
      %dma_wait3A_84 = tpu.memref_slice %arg5[%add3A_82] : memref<163840xi32, #tpu.memory_space<hbm>> -> memref<80xi32, #tpu.memory_space<hbm>>
      tpu.wait_dma2 semaphore(%arg25 : memref<!tpu.dma_semaphore, #tpu.memory_space<semaphore_mem>>) src(%dma_wait3A_84 : memref<80xi32, #tpu.memory_space<hbm>>) dst(%arg14 : memref<80xi32, #tpu.memory_space<vmem>>)
      %mul3A_85 = arith.constant 80 : i32
      %mul3A_86 = arith.muli %add3A_72, %mul3A_85 : i32
      %dma_wait3A_87 = tpu.memref_slice %arg10[%mul3A_86] : memref<5120xi32, #tpu.memory_space<vmem>> -> memref<80xi32, #tpu.memory_space<vmem>>
      %dma_wait3A_88 = arith.constant 0 : i32
      %dma_wait3A_89 = arith.constant 0 : i32
      %dma_wait3A_90 = tpu.memref_slice %arg2[%dma_wait3A_88, %dma_wait3A_89] : memref<10000x128xf32, #tpu.memory_space<hbm>> -> memref<10000x128xf32, #tpu.memory_space<hbm>>
      tpu.wait_indirect_dma semaphore(%arg25 : memref<!tpu.dma_semaphore, #tpu.memory_space<semaphore_mem>>) src(%dma_wait3A_90 : memref<10000x128xf32, #tpu.memory_space<hbm>>) dst(%arg17 : memref<80x128xf32, #tpu.memory_space<vmem>>)
      %mul3A_91 = arith.constant 80 : i32
      %mul3A_92 = arith.muli %add3A_72, %mul3A_91 : i32
      %dma_wait3A_93 = tpu.memref_slice %arg11[%mul3A_92] : memref<5120xi32, #tpu.memory_space<vmem>> -> memref<80xi32, #tpu.memory_space<vmem>>
      %dma_wait3A_94 = arith.constant 0 : i32
      %dma_wait3A_95 = arith.constant 0 : i32
      %dma_wait3A_96 = tpu.memref_slice %arg3[%dma_wait3A_94, %dma_wait3A_95] : memref<10000x128xf32, #tpu.memory_space<hbm>> -> memref<10000x128xf32, #tpu.memory_space<hbm>>
      tpu.wait_indirect_dma semaphore(%arg25 : memref<!tpu.dma_semaphore, #tpu.memory_space<semaphore_mem>>) src(%dma_wait3A_96 : memref<10000x128xf32, #tpu.memory_space<hbm>>) dst(%arg19 : memref<80x128xf32, #tpu.memory_space<vmem>>)
      %mul3A_97 = arith.constant 80 : i32
      %mul3A_98 = arith.muli %add3A_72, %mul3A_97 : i32
      %add3A_99 = arith.addi %mul3A_2, %mul3A_98 : i32
      %scan3A_100 = arith.constant 0 : i32
      %scan3A_101 = arith.constant 5 : i32
      %scan3A_102 = arith.addi %scan3A_100, %scan3A_101 : i32
      %scan3A_103 = arith.constant 1 : i32
      scf.for %scan3A_105 = %scan3A_100 to %scan3A_102 step %scan3A_103  : i32 {
        %mul3A_106 = arith.constant 1 : i32
        %mul3A_107 = arith.muli %scan3A_105, %mul3A_106 : i32
        %add3A_108 = arith.constant 0 : i32
        %add3A_109 = arith.addi %add3A_108, %mul3A_107 : i32
        %scan3A_110 = arith.constant 0 : i32
        %scan3A_111 = arith.constant 16 : i32
        %scan3A_112 = arith.addi %scan3A_110, %scan3A_111 : i32
        %scan3A_113 = arith.constant 1 : i32
        scf.for %scan3A_273 = %scan3A_110 to %scan3A_112 step %scan3A_113  : i32 {
          %mul3A_274 = arith.constant 1 : i32
          %mul3A_275 = arith.muli %scan3A_273, %mul3A_274 : i32
          %add3A_276 = arith.constant 0 : i32
          %add3A_277 = arith.addi %add3A_276, %mul3A_275 : i32
          %mul3A_278 = arith.constant 16 : i32
          %mul3A_279 = arith.muli %add3A_109, %mul3A_278 : i32
          %add3A_280 = arith.addi %mul3A_279, %add3A_277 : i32
          %broadcast_in_dim3A_281 = vector.broadcast %add3A_280 : i32 to vector<16xi32>
          %broadcast_in_dim3A_282 = arith.constant 0.000000e+00 : f32
          %broadcast_in_dim3A_283 = vector.broadcast %broadcast_in_dim3A_282 : f32 to vector<16xf32>
          %scan3A_284 = arith.constant 0 : i32
          %mul3A_285 = arith.constant 16 : i32
          %mul3A_286 = arith.muli %scan3A_284, %mul3A_285 : i32
          %add3A_287 = vector.broadcast %mul3A_286 : i32 to vector<16xi32>
          %add3A_288 = arith.addi %add3A_287, %iota3A : vector<16xi32>
          %gather3A_289 = tpu.vector_load_idx %arg17[%broadcast_in_dim3A_281, %add3A_288] : memref<80x128xf32, #tpu.memory_space<vmem>>[vector<16xi32>, vector<16xi32>], vector<16xf32>,
          %gather3A_290 = tpu.vector_load_idx %arg19[%broadcast_in_dim3A_281, %add3A_288] : memref<80x128xf32, #tpu.memory_space<vmem>>[vector<16xi32>, vector<16xi32>], vector<16xf32>,
          %bitcast3A = vector.bitcast %gather3A_289 : vector<16xf32> to vector<32xbf16>
          %bitcast3A_291 = vector.bitcast %gather3A_290 : vector<16xf32> to vector<32xbf16>
          %mul3A_292 = arith.mulf %bitcast3A, %bitcast3A_291 : vector<32xbf16>
          %unpack3A = tpu.unpack_subelements %mul3A_292, 0 {pack_format = #tpu.pack_format<interleaved>} : vector<32xbf16> -> vector<16xf32>
          %unpack3A_293 = tpu.unpack_subelements %mul3A_292, 1 {pack_format = #tpu.pack_format<interleaved>} : vector<32xbf16> -> vector<16xf32>
          %add3A_294 = arith.addf %broadcast_in_dim3A_283, %unpack3A : vector<16xf32>
          %add3A_295 = arith.addf %add3A_294, %unpack3A_293 : vector<16xf32>
          %scan3A_296 = arith.constant 1 : i32
          %mul3A_297 = arith.constant 16 : i32
          %mul3A_298 = arith.muli %scan3A_296, %mul3A_297 : i32
          %add3A_299 = vector.broadcast %mul3A_298 : i32 to vector<16xi32>
          %add3A_300 = arith.addi %add3A_299, %iota3A : vector<16xi32>
          %gather3A_301 = tpu.vector_load_idx %arg17[%broadcast_in_dim3A_281, %add3A_300] : memref<80x128xf32, #tpu.memory_space<vmem>>[vector<16xi32>, vector<16xi32>], vector<16xf32>,
          %gather3A_302 = tpu.vector_load_idx %arg19[%broadcast_in_dim3A_281, %add3A_300] : memref<80x128xf32, #tpu.memory_space<vmem>>[vector<16xi32>, vector<16xi32>], vector<16xf32>,
          %bitcast3A_303 = vector.bitcast %gather3A_301 : vector<16xf32> to vector<32xbf16>
          %bitcast3A_304 = vector.bitcast %gather3A_302 : vector<16xf32> to vector<32xbf16>
          %mul3A_305 = arith.mulf %bitcast3A_303, %bitcast3A_304 : vector<32xbf16>
          %unpack3A_306 = tpu.unpack_subelements %mul3A_305, 0 {pack_format = #tpu.pack_format<interleaved>} : vector<32xbf16> -> vector<16xf32>
          %unpack3A_307 = tpu.unpack_subelements %mul3A_305, 1 {pack_format = #tpu.pack_format<interleaved>} : vector<32xbf16> -> vector<16xf32>
          %add3A_308 = arith.addf %add3A_295, %unpack3A_306 : vector<16xf32>
          %add3A_309 = arith.addf %add3A_308, %unpack3A_307 : vector<16xf32>
          %scan3A_310 = arith.constant 2 : i32
          %mul3A_311 = arith.constant 16 : i32
          %mul3A_312 = arith.muli %scan3A_310, %mul3A_311 : i32
          %add3A_313 = vector.broadcast %mul3A_312 : i32 to vector<16xi32>
          %add3A_314 = arith.addi %add3A_313, %iota3A : vector<16xi32>
          %gather3A_315 = tpu.vector_load_idx %arg17[%broadcast_in_dim3A_281, %add3A_314] : memref<80x128xf32, #tpu.memory_space<vmem>>[vector<16xi32>, vector<16xi32>], vector<16xf32>,
          %gather3A_316 = tpu.vector_load_idx %arg19[%broadcast_in_dim3A_281, %add3A_314] : memref<80x128xf32, #tpu.memory_space<vmem>>[vector<16xi32>, vector<16xi32>], vector<16xf32>,
          %bitcast3A_317 = vector.bitcast %gather3A_315 : vector<16xf32> to vector<32xbf16>
          %bitcast3A_318 = vector.bitcast %gather3A_316 : vector<16xf32> to vector<32xbf16>
          %mul3A_319 = arith.mulf %bitcast3A_317, %bitcast3A_318 : vector<32xbf16>
          %unpack3A_320 = tpu.unpack_subelements %mul3A_319, 0 {pack_format = #tpu.pack_format<interleaved>} : vector<32xbf16> -> vector<16xf32>
          %unpack3A_321 = tpu.unpack_subelements %mul3A_319, 1 {pack_format = #tpu.pack_format<interleaved>} : vector<32xbf16> -> vector<16xf32>
          %add3A_322 = arith.addf %add3A_309, %unpack3A_320 : vector<16xf32>
          %add3A_323 = arith.addf %add3A_322, %unpack3A_321 : vector<16xf32>
          %scan3A_324 = arith.constant 3 : i32
          %mul3A_325 = arith.constant 16 : i32
          %mul3A_326 = arith.muli %scan3A_324, %mul3A_325 : i32
          %add3A_327 = vector.broadcast %mul3A_326 : i32 to vector<16xi32>
          %add3A_328 = arith.addi %add3A_327, %iota3A : vector<16xi32>
          %gather3A_329 = tpu.vector_load_idx %arg17[%broadcast_in_dim3A_281, %add3A_328] : memref<80x128xf32, #tpu.memory_space<vmem>>[vector<16xi32>, vector<16xi32>], vector<16xf32>,
          %gather3A_330 = tpu.vector_load_idx %arg19[%broadcast_in_dim3A_281, %add3A_328] : memref<80x128xf32, #tpu.memory_space<vmem>>[vector<16xi32>, vector<16xi32>], vector<16xf32>,
          %bitcast3A_331 = vector.bitcast %gather3A_329 : vector<16xf32> to vector<32xbf16>
          %bitcast3A_332 = vector.bitcast %gather3A_330 : vector<16xf32> to vector<32xbf16>
          %mul3A_333 = arith.mulf %bitcast3A_331, %bitcast3A_332 : vector<32xbf16>
          %unpack3A_334 = tpu.unpack_subelements %mul3A_333, 0 {pack_format = #tpu.pack_format<interleaved>} : vector<32xbf16> -> vector<16xf32>
          %unpack3A_335 = tpu.unpack_subelements %mul3A_333, 1 {pack_format = #tpu.pack_format<interleaved>} : vector<32xbf16> -> vector<16xf32>
          %add3A_336 = arith.addf %add3A_323, %unpack3A_334 : vector<16xf32>
          %add3A_337 = arith.addf %add3A_336, %unpack3A_335 : vector<16xf32>
          %scan3A_338 = arith.constant 4 : i32
          %mul3A_339 = arith.constant 16 : i32
          %mul3A_340 = arith.muli %scan3A_338, %mul3A_339 : i32
          %add3A_341 = vector.broadcast %mul3A_340 : i32 to vector<16xi32>
          %add3A_342 = arith.addi %add3A_341, %iota3A : vector<16xi32>
          %gather3A_343 = tpu.vector_load_idx %arg17[%broadcast_in_dim3A_281, %add3A_342] : memref<80x128xf32, #tpu.memory_space<vmem>>[vector<16xi32>, vector<16xi32>], vector<16xf32>,
          %gather3A_344 = tpu.vector_load_idx %arg19[%broadcast_in_dim3A_281, %add3A_342] : memref<80x128xf32, #tpu.memory_space<vmem>>[vector<16xi32>, vector<16xi32>], vector<16xf32>,
          %bitcast3A_345 = vector.bitcast %gather3A_343 : vector<16xf32> to vector<32xbf16>
          %bitcast3A_346 = vector.bitcast %gather3A_344 : vector<16xf32> to vector<32xbf16>
          %mul3A_347 = arith.mulf %bitcast3A_345, %bitcast3A_346 : vector<32xbf16>
          %unpack3A_348 = tpu.unpack_subelements %mul3A_347, 0 {pack_format = #tpu.pack_format<interleaved>} : vector<32xbf16> -> vector<16xf32>
          %unpack3A_349 = tpu.unpack_subelements %mul3A_347, 1 {pack_format = #tpu.pack_format<interleaved>} : vector<32xbf16> -> vector<16xf32>
          %add3A_350 = arith.addf %add3A_337, %unpack3A_348 : vector<16xf32>
          %add3A_351 = arith.addf %add3A_350, %unpack3A_349 : vector<16xf32>
          %scan3A_352 = arith.constant 5 : i32
          %mul3A_353 = arith.constant 16 : i32
          %mul3A_354 = arith.muli %scan3A_352, %mul3A_353 : i32
          %add3A_355 = vector.broadcast %mul3A_354 : i32 to vector<16xi32>
          %add3A_356 = arith.addi %add3A_355, %iota3A : vector<16xi32>
          %gather3A_357 = tpu.vector_load_idx %arg17[%broadcast_in_dim3A_281, %add3A_356] : memref<80x128xf32, #tpu.memory_space<vmem>>[vector<16xi32>, vector<16xi32>], vector<16xf32>,
          %gather3A_358 = tpu.vector_load_idx %arg19[%broadcast_in_dim3A_281, %add3A_356] : memref<80x128xf32, #tpu.memory_space<vmem>>[vector<16xi32>, vector<16xi32>], vector<16xf32>,
          %bitcast3A_359 = vector.bitcast %gather3A_357 : vector<16xf32> to vector<32xbf16>
          %bitcast3A_360 = vector.bitcast %gather3A_358 : vector<16xf32> to vector<32xbf16>
          %mul3A_361 = arith.mulf %bitcast3A_359, %bitcast3A_360 : vector<32xbf16>
          %unpack3A_362 = tpu.unpack_subelements %mul3A_361, 0 {pack_format = #tpu.pack_format<interleaved>} : vector<32xbf16> -> vector<16xf32>
          %unpack3A_363 = tpu.unpack_subelements %mul3A_361, 1 {pack_format = #tpu.pack_format<interleaved>} : vector<32xbf16> -> vector<16xf32>
          %add3A_364 = arith.addf %add3A_351, %unpack3A_362 : vector<16xf32>
          %add3A_365 = arith.addf %add3A_364, %unpack3A_363 : vector<16xf32>
          %scan3A_366 = arith.constant 6 : i32
          %mul3A_367 = arith.constant 16 : i32
          %mul3A_368 = arith.muli %scan3A_366, %mul3A_367 : i32
          %add3A_369 = vector.broadcast %mul3A_368 : i32 to vector<16xi32>
          %add3A_370 = arith.addi %add3A_369, %iota3A : vector<16xi32>
          %gather3A_371 = tpu.vector_load_idx %arg17[%broadcast_in_dim3A_281, %add3A_370] : memref<80x128xf32, #tpu.memory_space<vmem>>[vector<16xi32>, vector<16xi32>], vector<16xf32>,
          %gather3A_372 = tpu.vector_load_idx %arg19[%broadcast_in_dim3A_281, %add3A_370] : memref<80x128xf32, #tpu.memory_space<vmem>>[vector<16xi32>, vector<16xi32>], vector<16xf32>,
          %bitcast3A_373 = vector.bitcast %gather3A_371 : vector<16xf32> to vector<32xbf16>
          %bitcast3A_374 = vector.bitcast %gather3A_372 : vector<16xf32> to vector<32xbf16>
          %mul3A_375 = arith.mulf %bitcast3A_373, %bitcast3A_374 : vector<32xbf16>
          %unpack3A_376 = tpu.unpack_subelements %mul3A_375, 0 {pack_format = #tpu.pack_format<interleaved>} : vector<32xbf16> -> vector<16xf32>
          %unpack3A_377 = tpu.unpack_subelements %mul3A_375, 1 {pack_format = #tpu.pack_format<interleaved>} : vector<32xbf16> -> vector<16xf32>
          %add3A_378 = arith.addf %add3A_365, %unpack3A_376 : vector<16xf32>
          %add3A_379 = arith.addf %add3A_378, %unpack3A_377 : vector<16xf32>
          %scan3A_380 = arith.constant 7 : i32
          %mul3A_381 = arith.constant 16 : i32
          %mul3A_382 = arith.muli %scan3A_380, %mul3A_381 : i32
          %add3A_383 = vector.broadcast %mul3A_382 : i32 to vector<16xi32>
          %add3A_384 = arith.addi %add3A_383, %iota3A : vector<16xi32>
          %gather3A_385 = tpu.vector_load_idx %arg17[%broadcast_in_dim3A_281, %add3A_384] : memref<80x128xf32, #tpu.memory_space<vmem>>[vector<16xi32>, vector<16xi32>], vector<16xf32>,
          %gather3A_386 = tpu.vector_load_idx %arg19[%broadcast_in_dim3A_281, %add3A_384] : memref<80x128xf32, #tpu.memory_space<vmem>>[vector<16xi32>, vector<16xi32>], vector<16xf32>,
          %bitcast3A_387 = vector.bitcast %gather3A_385 : vector<16xf32> to vector<32xbf16>
          %bitcast3A_388 = vector.bitcast %gather3A_386 : vector<16xf32> to vector<32xbf16>
          %mul3A_389 = arith.mulf %bitcast3A_387, %bitcast3A_388 : vector<32xbf16>
          %unpack3A_390 = tpu.unpack_subelements %mul3A_389, 0 {pack_format = #tpu.pack_format<interleaved>} : vector<32xbf16> -> vector<16xf32>
          %unpack3A_391 = tpu.unpack_subelements %mul3A_389, 1 {pack_format = #tpu.pack_format<interleaved>} : vector<32xbf16> -> vector<16xf32>
          %add3A_392 = arith.addf %add3A_379, %unpack3A_390 : vector<16xf32>
          %add3A_393 = arith.addf %add3A_392, %unpack3A_391 : vector<16xf32>
          %scan3A_394 = arith.constant 8 : i32
          %mul3A_395 = arith.constant 17 : i32
          %mul3A_396 = arith.muli %mul3A_395, %add3A_277 : i32
          %swap3A_397 = arith.index_cast %mul3A_396 : i32 to index
          %swap3A_398 = tpu.vector_load %arg22[%swap3A_397] {strides = array<i32>} : memref<272xf32, #tpu.memory_space<vmem>>, vector<16xf32>,
          tpu.vector_store %arg22[%swap3A_397], %add3A_393 {strides = array<i32>} : memref<272xf32, #tpu.memory_space<vmem>>, vector<16xf32>,
        }
        %scan3A_114 = arith.constant 16 : i32
        %broadcast_in_dim3A = arith.constant 0.000000e+00 : f32
        %broadcast_in_dim3A_115 = vector.broadcast %broadcast_in_dim3A : f32 to vector<16xf32>
        %mul3A_116 = arith.constant 17 : i32
        %mul3A_117 = vector.broadcast %mul3A_116 : i32 to vector<16xi32>
        %mul3A_118 = arith.muli %mul3A_117, %iota3A : vector<16xi32>
        %add3A_119 = arith.constant 0 : i32
        %add3A_120 = vector.broadcast %add3A_119 : i32 to vector<16xi32>
        %add3A_121 = arith.addi %mul3A_118, %add3A_120 : vector<16xi32>
        %gather3A = tpu.vector_load_idx %arg22[%add3A_121] : memref<272xf32, #tpu.memory_space<vmem>>[vector<16xi32>], vector<16xf32>,
        %add3A_122 = arith.addf %broadcast_in_dim3A_115, %gather3A : vector<16xf32>
        %mul3A_123 = arith.constant 17 : i32
        %mul3A_124 = vector.broadcast %mul3A_123 : i32 to vector<16xi32>
        %mul3A_125 = arith.muli %mul3A_124, %iota3A : vector<16xi32>
        %add3A_126 = arith.constant 1 : i32
        %add3A_127 = vector.broadcast %add3A_126 : i32 to vector<16xi32>
        %add3A_128 = arith.addi %mul3A_125, %add3A_127 : vector<16xi32>
        %gather3A_129 = tpu.vector_load_idx %arg22[%add3A_128] : memref<272xf32, #tpu.memory_space<vmem>>[vector<16xi32>], vector<16xf32>,
        %add3A_130 = arith.addf %add3A_122, %gather3A_129 : vector<16xf32>
        %mul3A_131 = arith.constant 17 : i32
        %mul3A_132 = vector.broadcast %mul3A_131 : i32 to vector<16xi32>
        %mul3A_133 = arith.muli %mul3A_132, %iota3A : vector<16xi32>
        %add3A_134 = arith.constant 2 : i32
        %add3A_135 = vector.broadcast %add3A_134 : i32 to vector<16xi32>
        %add3A_136 = arith.addi %mul3A_133, %add3A_135 : vector<16xi32>
        %gather3A_137 = tpu.vector_load_idx %arg22[%add3A_136] : memref<272xf32, #tpu.memory_space<vmem>>[vector<16xi32>], vector<16xf32>,
        %add3A_138 = arith.addf %add3A_130, %gather3A_137 : vector<16xf32>
        %mul3A_139 = arith.constant 17 : i32
        %mul3A_140 = vector.broadcast %mul3A_139 : i32 to vector<16xi32>
        %mul3A_141 = arith.muli %mul3A_140, %iota3A : vector<16xi32>
        %add3A_142 = arith.constant 3 : i32
        %add3A_143 = vector.broadcast %add3A_142 : i32 to vector<16xi32>
        %add3A_144 = arith.addi %mul3A_141, %add3A_143 : vector<16xi32>
        %gather3A_145 = tpu.vector_load_idx %arg22[%add3A_144] : memref<272xf32, #tpu.memory_space<vmem>>[vector<16xi32>], vector<16xf32>,
        %add3A_146 = arith.addf %add3A_138, %gather3A_145 : vector<16xf32>
        %mul3A_147 = arith.constant 17 : i32
        %mul3A_148 = vector.broadcast %mul3A_147 : i32 to vector<16xi32>
        %mul3A_149 = arith.muli %mul3A_148, %iota3A : vector<16xi32>
        %add3A_150 = arith.constant 4 : i32
        %add3A_151 = vector.broadcast %add3A_150 : i32 to vector<16xi32>
        %add3A_152 = arith.addi %mul3A_149, %add3A_151 : vector<16xi32>
        %gather3A_153 = tpu.vector_load_idx %arg22[%add3A_152] : memref<272xf32, #tpu.memory_space<vmem>>[vector<16xi32>], vector<16xf32>,
        %add3A_154 = arith.addf %add3A_146, %gather3A_153 : vector<16xf32>
        %mul3A_155 = arith.constant 17 : i32
        %mul3A_156 = vector.broadcast %mul3A_155 : i32 to vector<16xi32>
        %mul3A_157 = arith.muli %mul3A_156, %iota3A : vector<16xi32>
        %add3A_158 = arith.constant 5 : i32
        %add3A_159 = vector.broadcast %add3A_158 : i32 to vector<16xi32>
        %add3A_160 = arith.addi %mul3A_157, %add3A_159 : vector<16xi32>
        %gather3A_161 = tpu.vector_load_idx %arg22[%add3A_160] : memref<272xf32, #tpu.memory_space<vmem>>[vector<16xi32>], vector<16xf32>,
        %add3A_162 = arith.addf %add3A_154, %gather3A_161 : vector<16xf32>
        %mul3A_163 = arith.constant 17 : i32
        %mul3A_164 = vector.broadcast %mul3A_163 : i32 to vector<16xi32>
        %mul3A_165 = arith.muli %mul3A_164, %iota3A : vector<16xi32>
        %add3A_166 = arith.constant 6 : i32
        %add3A_167 = vector.broadcast %add3A_166 : i32 to vector<16xi32>
        %add3A_168 = arith.addi %mul3A_165, %add3A_167 : vector<16xi32>
        %gather3A_169 = tpu.vector_load_idx %arg22[%add3A_168] : memref<272xf32, #tpu.memory_space<vmem>>[vector<16xi32>], vector<16xf32>,
        %add3A_170 = arith.addf %add3A_162, %gather3A_169 : vector<16xf32>
        %mul3A_171 = arith.constant 17 : i32
        %mul3A_172 = vector.broadcast %mul3A_171 : i32 to vector<16xi32>
        %mul3A_173 = arith.muli %mul3A_172, %iota3A : vector<16xi32>
        %add3A_174 = arith.constant 7 : i32
        %add3A_175 = vector.broadcast %add3A_174 : i32 to vector<16xi32>
        %add3A_176 = arith.addi %mul3A_173, %add3A_175 : vector<16xi32>
        %gather3A_177 = tpu.vector_load_idx %arg22[%add3A_176] : memref<272xf32, #tpu.memory_space<vmem>>[vector<16xi32>], vector<16xf32>,
        %add3A_178 = arith.addf %add3A_170, %gather3A_177 : vector<16xf32>
        %mul3A_179 = arith.constant 17 : i32
        %mul3A_180 = vector.broadcast %mul3A_179 : i32 to vector<16xi32>
        %mul3A_181 = arith.muli %mul3A_180, %iota3A : vector<16xi32>
        %add3A_182 = arith.constant 8 : i32
        %add3A_183 = vector.broadcast %add3A_182 : i32 to vector<16xi32>
        %add3A_184 = arith.addi %mul3A_181, %add3A_183 : vector<16xi32>
        %gather3A_185 = tpu.vector_load_idx %arg22[%add3A_184] : memref<272xf32, #tpu.memory_space<vmem>>[vector<16xi32>], vector<16xf32>,
        %add3A_186 = arith.addf %add3A_178, %gather3A_185 : vector<16xf32>
        %mul3A_187 = arith.constant 17 : i32
        %mul3A_188 = vector.broadcast %mul3A_187 : i32 to vector<16xi32>
        %mul3A_189 = arith.muli %mul3A_188, %iota3A : vector<16xi32>
        %add3A_190 = arith.constant 9 : i32
        %add3A_191 = vector.broadcast %add3A_190 : i32 to vector<16xi32>
        %add3A_192 = arith.addi %mul3A_189, %add3A_191 : vector<16xi32>
        %gather3A_193 = tpu.vector_load_idx %arg22[%add3A_192] : memref<272xf32, #tpu.memory_space<vmem>>[vector<16xi32>], vector<16xf32>,
        %add3A_194 = arith.addf %add3A_186, %gather3A_193 : vector<16xf32>
        %mul3A_195 = arith.constant 17 : i32
        %mul3A_196 = vector.broadcast %mul3A_195 : i32 to vector<16xi32>
        %mul3A_197 = arith.muli %mul3A_196, %iota3A : vector<16xi32>
        %add3A_198 = arith.constant 10 : i32
        %add3A_199 = vector.broadcast %add3A_198 : i32 to vector<16xi32>
        %add3A_200 = arith.addi %mul3A_197, %add3A_199 : vector<16xi32>
        %gather3A_201 = tpu.vector_load_idx %arg22[%add3A_200] : memref<272xf32, #tpu.memory_space<vmem>>[vector<16xi32>], vector<16xf32>,
        %add3A_202 = arith.addf %add3A_194, %gather3A_201 : vector<16xf32>
        %mul3A_203 = arith.constant 17 : i32
        %mul3A_204 = vector.broadcast %mul3A_203 : i32 to vector<16xi32>
        %mul3A_205 = arith.muli %mul3A_204, %iota3A : vector<16xi32>
        %add3A_206 = arith.constant 11 : i32
        %add3A_207 = vector.broadcast %add3A_206 : i32 to vector<16xi32>
        %add3A_208 = arith.addi %mul3A_205, %add3A_207 : vector<16xi32>
        %gather3A_209 = tpu.vector_load_idx %arg22[%add3A_208] : memref<272xf32, #tpu.memory_space<vmem>>[vector<16xi32>], vector<16xf32>,
        %add3A_210 = arith.addf %add3A_202, %gather3A_209 : vector<16xf32>
        %mul3A_211 = arith.constant 17 : i32
        %mul3A_212 = vector.broadcast %mul3A_211 : i32 to vector<16xi32>
        %mul3A_213 = arith.muli %mul3A_212, %iota3A : vector<16xi32>
        %add3A_214 = arith.constant 12 : i32
        %add3A_215 = vector.broadcast %add3A_214 : i32 to vector<16xi32>
        %add3A_216 = arith.addi %mul3A_213, %add3A_215 : vector<16xi32>
        %gather3A_217 = tpu.vector_load_idx %arg22[%add3A_216] : memref<272xf32, #tpu.memory_space<vmem>>[vector<16xi32>], vector<16xf32>,
        %add3A_218 = arith.addf %add3A_210, %gather3A_217 : vector<16xf32>
        %mul3A_219 = arith.constant 17 : i32
        %mul3A_220 = vector.broadcast %mul3A_219 : i32 to vector<16xi32>
        %mul3A_221 = arith.muli %mul3A_220, %iota3A : vector<16xi32>
        %add3A_222 = arith.constant 13 : i32
        %add3A_223 = vector.broadcast %add3A_222 : i32 to vector<16xi32>
        %add3A_224 = arith.addi %mul3A_221, %add3A_223 : vector<16xi32>
        %gather3A_225 = tpu.vector_load_idx %arg22[%add3A_224] : memref<272xf32, #tpu.memory_space<vmem>>[vector<16xi32>], vector<16xf32>,
        %add3A_226 = arith.addf %add3A_218, %gather3A_225 : vector<16xf32>
        %mul3A_227 = arith.constant 17 : i32
        %mul3A_228 = vector.broadcast %mul3A_227 : i32 to vector<16xi32>
        %mul3A_229 = arith.muli %mul3A_228, %iota3A : vector<16xi32>
        %add3A_230 = arith.constant 14 : i32
        %add3A_231 = vector.broadcast %add3A_230 : i32 to vector<16xi32>
        %add3A_232 = arith.addi %mul3A_229, %add3A_231 : vector<16xi32>
        %gather3A_233 = tpu.vector_load_idx %arg22[%add3A_232] : memref<272xf32, #tpu.memory_space<vmem>>[vector<16xi32>], vector<16xf32>,
        %add3A_234 = arith.addf %add3A_226, %gather3A_233 : vector<16xf32>
        %mul3A_235 = arith.constant 17 : i32
        %mul3A_236 = vector.broadcast %mul3A_235 : i32 to vector<16xi32>
        %mul3A_237 = arith.muli %mul3A_236, %iota3A : vector<16xi32>
        %add3A_238 = arith.constant 15 : i32
        %add3A_239 = vector.broadcast %add3A_238 : i32 to vector<16xi32>
        %add3A_240 = arith.addi %mul3A_237, %add3A_239 : vector<16xi32>
        %gather3A_241 = tpu.vector_load_idx %arg22[%add3A_240] : memref<272xf32, #tpu.memory_space<vmem>>[vector<16xi32>], vector<16xf32>,
        %add3A_242 = arith.addf %add3A_234, %gather3A_241 : vector<16xf32>
        %mul3A_243 = arith.constant 80 : i32
        %mul3A_244 = arith.muli %add3A_72, %mul3A_243 : i32
        %mul3A_245 = arith.constant 16 : i32
        %mul3A_246 = arith.muli %add3A_109, %mul3A_245 : i32
        %add3A_247 = arith.addi %mul3A_244, %mul3A_246 : i32
        %get3A_248 = arith.index_cast %add3A_247 : i32 to index
        %get3A_249 = tpu.vector_load %arg12[%get3A_248] {strides = array<i32>} : memref<5120xf32, #tpu.memory_space<vmem>>, vector<16xf32>,
        %mul3A_250 = arith.constant 1.250000e-01 : f32
        %mul3A_251 = vector.broadcast %mul3A_250 : f32 to vector<16xf32>
        %mul3A_252 = arith.mulf %add3A_242, %mul3A_251 : vector<16xf32>
        %add3A_253 = arith.constant 1.000000e+00 : f32
        %add3A_254 = vector.broadcast %add3A_253 : f32 to vector<16xf32>
        %add3A_255 = arith.addf %get3A_249, %add3A_254 : vector<16xf32>
        %mul3A_256 = arith.mulf %get3A_9, %add3A_255 : vector<16xf32>
        %mul3A_257 = arith.constant 5.000000e-01 : f32
        %mul3A_258 = vector.broadcast %mul3A_257 : f32 to vector<16xf32>
        %mul3A_259 = arith.mulf %mul3A_256, %mul3A_258 : vector<16xf32>
        %add3A_260 = arith.addf %mul3A_252, %mul3A_259 : vector<16xf32>
        %mul3A_261 = arith.constant 16 : i32
        %mul3A_262 = arith.muli %add3A_109, %mul3A_261 : i32
        %add3A_263 = arith.addi %add3A_99, %mul3A_262 : i32
        %add3A_264 = vector.broadcast %add3A_263 : i32 to vector<16xi32>
        %add3A_265 = arith.addi %add3A_264, %iota3A : vector<16xi32>
        %lt3A_266 = arith.constant 160000 : i32
        %lt3A_267 = vector.broadcast %lt3A_266 : i32 to vector<16xi32>
        %lt3A_268 = arith.cmpi slt, %add3A_265, %lt3A_267 : vector<16xi32>
        %exp3A = math.exp %add3A_260 : vector<16xf32>
        %jit3A = arith.constant 0.000000e+00 : f32
        %broadcast_in_dim3A_269 = vector.broadcast %jit3A : f32 to vector<16xf32>
        %select_n3A = arith.select %lt3A_268, %exp3A, %broadcast_in_dim3A_269 : vector<16xi1>, vector<16xf32>
        %mul3A_270 = arith.constant 16 : i32
        %mul3A_271 = arith.muli %add3A_109, %mul3A_270 : i32
        %swap3A = arith.index_cast %mul3A_271 : i32 to index
        %swap3A_272 = tpu.vector_load %arg15[%swap3A] {strides = array<i32>} : memref<80xf32, #tpu.memory_space<vmem>>, vector<16xf32>,
        tpu.vector_store %arg15[%swap3A], %select_n3A {strides = array<i32>} : memref<80xf32, #tpu.memory_space<vmem>>, vector<16xf32>,
      }
      %scan3A_104 = arith.constant 5 : i32
      "tpu.region"() ({
        %run_scoped3A = tpu.sem_alloc : memref<!tpu.dma_semaphore, #tpu.memory_space<semaphore_mem>>
        %dma_start3A_105 = arith.constant 0 : i32
        %dma_start3A_106 = tpu.memref_slice %arg23[%dma_start3A_105] : memref<10000xf32, #tpu.memory_space<vmem_shared>> -> memref<10000xf32, #tpu.memory_space<vmem_shared>>
        tpu.enqueue_indirect_dma source(%arg15 : memref<80xf32, #tpu.memory_space<vmem>>) target(%dma_start3A_106 : memref<10000xf32, #tpu.memory_space<vmem_shared>>) offsets(%arg14 : memref<80xi32, #tpu.memory_space<vmem>>) semaphore(%run_scoped3A : memref<!tpu.dma_semaphore, #tpu.memory_space<semaphore_mem>>) {add = true}
        %dma_wait3A_107 = arith.constant 0 : i32
        %dma_wait3A_108 = tpu.memref_slice %arg23[%dma_wait3A_107] : memref<10000xf32, #tpu.memory_space<vmem_shared>> -> memref<10000xf32, #tpu.memory_space<vmem_shared>>
        tpu.wait_indirect_dma semaphore(%run_scoped3A : memref<!tpu.dma_semaphore, #tpu.memory_space<semaphore_mem>>) src(%arg15 : memref<80xf32, #tpu.memory_space<vmem>>) dst(%dma_wait3A_108 : memref<10000xf32, #tpu.memory_space<vmem_shared>>)
        tpu.yield
      }) : () -> ()
      "tpu.region"() ({
        %run_scoped3A = tpu.sem_alloc : memref<!tpu.dma_semaphore, #tpu.memory_space<semaphore_mem>>
        %dma_start3A_105 = tpu.memref_slice %arg8[%add3A_99] : memref<163840xf32, #tpu.memory_space<hbm>> -> memref<80xf32, #tpu.memory_space<hbm>>
        %dma_start3A_106 = tpu.memref_slice %arg8[%add3A_99] : memref<163840xf32, #tpu.memory_space<hbm>> -> memref<80xf32, #tpu.memory_space<hbm>>
        tpu.enqueue_dma source(%arg15 : memref<80xf32, #tpu.memory_space<vmem>>) target(%dma_start3A_106 : memref<80xf32, #tpu.memory_space<hbm>>) target_semaphore(%run_scoped3A : memref<!tpu.dma_semaphore, #tpu.memory_space<semaphore_mem>>)
        %dma_wait3A_107 = tpu.memref_slice %arg8[%add3A_99] : memref<163840xf32, #tpu.memory_space<hbm>> -> memref<80xf32, #tpu.memory_space<hbm>>
        %dma_wait3A_108 = tpu.memref_slice %arg8[%add3A_99] : memref<163840xf32, #tpu.memory_space<hbm>> -> memref<80xf32, #tpu.memory_space<hbm>>
        tpu.wait_dma2 semaphore(%run_scoped3A : memref<!tpu.dma_semaphore, #tpu.memory_space<semaphore_mem>>) src(%arg15 : memref<80xf32, #tpu.memory_space<vmem>>) dst(%dma_wait3A_108 : memref<80xf32, #tpu.memory_space<hbm>>)
        tpu.yield
      }) : () -> ()
    }
    %scan3A_27 = arith.constant 32 : i32
    %barrier3A_28 = arith.constant 0 : index
    tpu.barrier barrier_id(%barrier3A_28)
    %eq3A_29 = arith.constant 0 : i32
    %eq3A_30 = arith.cmpi eq, %arg1, %eq3A_29 : i32
    %convert_element_type3A_31 = arith.extui %eq3A_30 : i1 to i32
    %cond3A_32 = arith.constant 0 : i32
    %cond3A_33 = arith.cmpi ne, %convert_element_type3A_31, %cond3A_32 : i32
    scf.if %cond3A_33 {
      "tpu.region"() ({
        %run_scoped3A = tpu.sem_alloc : memref<!tpu.dma_semaphore, #tpu.memory_space<semaphore_mem>>
        %dma_start3A_34 = arith.constant 0 : i32
        %dma_start3A_35 = tpu.memref_slice %arg9[%arg0, %dma_start3A_34] : memref<2x10000xf32, #tpu.memory_space<hbm>> -> memref<1x10000xf32, #tpu.memory_space<hbm>>
        %dma_start3A_36 = tpu.memref_squeeze %dma_start3A_35 : memref<1x10000xf32, #tpu.memory_space<hbm>> -> memref<10000xf32, #tpu.memory_space<hbm>>
        tpu.enqueue_dma source(%arg23 : memref<10000xf32, #tpu.memory_space<vmem_shared>>) target(%dma_start3A_36 : memref<10000xf32, #tpu.memory_space<hbm>>) target_semaphore(%run_scoped3A : memref<!tpu.dma_semaphore, #tpu.memory_space<semaphore_mem>>)
        %dma_wait3A = arith.constant 0 : i32
        %dma_wait3A_37 = tpu.memref_slice %arg9[%arg0, %dma_wait3A] : memref<2x10000xf32, #tpu.memory_space<hbm>> -> memref<1x10000xf32, #tpu.memory_space<hbm>>
        %dma_wait3A_38 = tpu.memref_squeeze %dma_wait3A_37 : memref<1x10000xf32, #tpu.memory_space<hbm>> -> memref<10000xf32, #tpu.memory_space<hbm>>
        tpu.wait_dma2 semaphore(%run_scoped3A : memref<!tpu.dma_semaphore, #tpu.memory_space<semaphore_mem>>) src(%arg23 : memref<10000xf32, #tpu.memory_space<vmem_shared>>) dst(%dma_wait3A_38 : memref<10000xf32, #tpu.memory_space<hbm>>)
        tpu.yield
      }) : () -> ()
    } else {
    }
    return
  }
}

#map = affine_map<(d0, d1) -> (0)>
module attributes {stable_mosaic.version = 14 : i64} {
  func.func @_wts_body(%arg0: i32, %arg1: i32, %arg2: memref<163840xf32, #tpu.memory_space<hbm>>, %arg3: memref<163840xi32, #tpu.memory_space<hbm>>, %arg4: memref<20000xf32, #tpu.memory_space<hbm>>, %arg5: memref<163840xf32, #tpu.memory_space<hbm>>, %arg6: memref<10000xf32, #tpu.memory_space<hbm>>, %arg7: memref<20000xf32, #tpu.memory_space<vmem>>, %arg8: memref<10000xf32, #tpu.memory_space<vmem>>, %arg9: memref<10000xf32, #tpu.memory_space<vmem>>, %arg10: memref<5120xf32, #tpu.memory_space<vmem>>, %arg11: memref<5120xi32, #tpu.memory_space<vmem>>, %arg12: memref<5120xf32, #tpu.memory_space<vmem>>) attributes {dimension_semantics = [#tpu.dimension_semantics<core_parallel>, #tpu.dimension_semantics<subcore_parallel>], iteration_bounds = array<i64: 2, 16>, scalar_prefetch = 0 : i64, scratch_operands = 6 : i64, tpu.core_type = #tpu.core_type<sc_vector_subcore>, window_params = [{transform_indices = #map}, {transform_indices = #map}, {transform_indices = #map}, {transform_indices = #map}, {transform_indices = #map}]} {
    %mul3A = arith.constant 2 : i32
    %mul3A_0 = arith.muli %arg1, %mul3A : i32
    %add3A = arith.addi %mul3A_0, %arg0 : i32
    %mul3A_1 = arith.constant 5120 : i32
    %mul3A_2 = arith.muli %add3A, %mul3A_1 : i32
    "tpu.region"() ({
      %run_scoped3A = tpu.sem_alloc : memref<!tpu.dma_semaphore, #tpu.memory_space<semaphore_mem>>
      tpu.enqueue_dma source(%arg4 : memref<20000xf32, #tpu.memory_space<hbm>>) target(%arg7 : memref<20000xf32, #tpu.memory_space<vmem>>) target_semaphore(%run_scoped3A : memref<!tpu.dma_semaphore, #tpu.memory_space<semaphore_mem>>)
      tpu.wait_dma2 semaphore(%run_scoped3A : memref<!tpu.dma_semaphore, #tpu.memory_space<semaphore_mem>>) src(%arg4 : memref<20000xf32, #tpu.memory_space<hbm>>) dst(%arg7 : memref<20000xf32, #tpu.memory_space<vmem>>)
      tpu.yield
    }) : () -> ()
    "tpu.region"() ({
      %run_scoped3A = tpu.sem_alloc : memref<!tpu.dma_semaphore, #tpu.memory_space<semaphore_mem>>
      %dma_start3A = tpu.memref_slice %arg2[%mul3A_2] : memref<163840xf32, #tpu.memory_space<hbm>> -> memref<5120xf32, #tpu.memory_space<hbm>>
      %dma_start3A_14 = tpu.memref_slice %arg2[%mul3A_2] : memref<163840xf32, #tpu.memory_space<hbm>> -> memref<5120xf32, #tpu.memory_space<hbm>>
      tpu.enqueue_dma source(%dma_start3A_14 : memref<5120xf32, #tpu.memory_space<hbm>>) target(%arg10 : memref<5120xf32, #tpu.memory_space<vmem>>) target_semaphore(%run_scoped3A : memref<!tpu.dma_semaphore, #tpu.memory_space<semaphore_mem>>)
      %dma_wait3A = tpu.memref_slice %arg2[%mul3A_2] : memref<163840xf32, #tpu.memory_space<hbm>> -> memref<5120xf32, #tpu.memory_space<hbm>>
      %dma_wait3A_15 = tpu.memref_slice %arg2[%mul3A_2] : memref<163840xf32, #tpu.memory_space<hbm>> -> memref<5120xf32, #tpu.memory_space<hbm>>
      tpu.wait_dma2 semaphore(%run_scoped3A : memref<!tpu.dma_semaphore, #tpu.memory_space<semaphore_mem>>) src(%dma_wait3A_15 : memref<5120xf32, #tpu.memory_space<hbm>>) dst(%arg10 : memref<5120xf32, #tpu.memory_space<vmem>>)
      tpu.yield
    }) : () -> ()
    "tpu.region"() ({
      %run_scoped3A = tpu.sem_alloc : memref<!tpu.dma_semaphore, #tpu.memory_space<semaphore_mem>>
      %dma_start3A = tpu.memref_slice %arg3[%mul3A_2] : memref<163840xi32, #tpu.memory_space<hbm>> -> memref<5120xi32, #tpu.memory_space<hbm>>
      %dma_start3A_14 = tpu.memref_slice %arg3[%mul3A_2] : memref<163840xi32, #tpu.memory_space<hbm>> -> memref<5120xi32, #tpu.memory_space<hbm>>
      tpu.enqueue_dma source(%dma_start3A_14 : memref<5120xi32, #tpu.memory_space<hbm>>) target(%arg11 : memref<5120xi32, #tpu.memory_space<vmem>>) target_semaphore(%run_scoped3A : memref<!tpu.dma_semaphore, #tpu.memory_space<semaphore_mem>>)
      %dma_wait3A = tpu.memref_slice %arg3[%mul3A_2] : memref<163840xi32, #tpu.memory_space<hbm>> -> memref<5120xi32, #tpu.memory_space<hbm>>
      %dma_wait3A_15 = tpu.memref_slice %arg3[%mul3A_2] : memref<163840xi32, #tpu.memory_space<hbm>> -> memref<5120xi32, #tpu.memory_space<hbm>>
      tpu.wait_dma2 semaphore(%run_scoped3A : memref<!tpu.dma_semaphore, #tpu.memory_space<semaphore_mem>>) src(%dma_wait3A_15 : memref<5120xi32, #tpu.memory_space<hbm>>) dst(%arg11 : memref<5120xi32, #tpu.memory_space<vmem>>)
      tpu.yield
    }) : () -> ()
    %scan3A = arith.constant 0 : i32
    %scan3A_3 = arith.constant 625 : i32
    %scan3A_4 = arith.addi %scan3A, %scan3A_3 : i32
    %scan3A_5 = arith.constant 1 : i32
    scf.for %scan3A_14 = %scan3A to %scan3A_4 step %scan3A_5  : i32 {
      %mul3A_15 = arith.constant 1 : i32
      %mul3A_16 = arith.muli %scan3A_14, %mul3A_15 : i32
      %add3A_17 = arith.constant 0 : i32
      %add3A_18 = arith.addi %add3A_17, %mul3A_16 : i32
      %mul3A_19 = arith.constant 16 : i32
      %mul3A_20 = arith.muli %add3A_18, %mul3A_19 : i32
      %get3A = arith.index_cast %mul3A_20 : i32 to index
      %get3A_21 = tpu.vector_load %arg7[%get3A] {strides = array<i32>} : memref<20000xf32, #tpu.memory_space<vmem>>, vector<16xf32>,
      %add3A_22 = arith.constant 10000 : i32
      %add3A_23 = arith.addi %add3A_22, %mul3A_20 : i32
      %get3A_24 = arith.index_cast %add3A_23 : i32 to index
      %get3A_25 = tpu.vector_load %arg7[%get3A_24] {strides = array<i32>} : memref<20000xf32, #tpu.memory_space<vmem>>, vector<16xf32>,
      %add3A_26 = arith.addf %get3A_21, %get3A_25 : vector<16xf32>
      %add3A_27 = arith.constant 9.99999971E-10 : f32
      %add3A_28 = vector.broadcast %add3A_27 : f32 to vector<16xf32>
      %add3A_29 = arith.addf %add3A_26, %add3A_28 : vector<16xf32>
      %div3A = arith.constant 1.000000e+00 : f32
      %div3A_30 = vector.broadcast %div3A : f32 to vector<16xf32>
      %div3A_31 = arith.divf %div3A_30, %add3A_29 : vector<16xf32>
      %swap3A = arith.index_cast %mul3A_20 : i32 to index
      %swap3A_32 = tpu.vector_load %arg8[%swap3A] {strides = array<i32>} : memref<10000xf32, #tpu.memory_space<vmem>>, vector<16xf32>,
      tpu.vector_store %arg8[%swap3A], %div3A_31 {strides = array<i32>} : memref<10000xf32, #tpu.memory_space<vmem>>, vector<16xf32>,
      %mul3A_33 = arith.mulf %add3A_26, %div3A_31 : vector<16xf32>
      %swap3A_34 = arith.index_cast %mul3A_20 : i32 to index
      %swap3A_35 = tpu.vector_load %arg9[%swap3A_34] {strides = array<i32>} : memref<10000xf32, #tpu.memory_space<vmem>>, vector<16xf32>,
      tpu.vector_store %arg9[%swap3A_34], %mul3A_33 {strides = array<i32>} : memref<10000xf32, #tpu.memory_space<vmem>>, vector<16xf32>,
    }
    %scan3A_6 = arith.constant 625 : i32
    %eq3A = arith.constant 0 : i32
    %eq3A_7 = arith.cmpi eq, %add3A, %eq3A : i32
    %convert_element_type3A = arith.extui %eq3A_7 : i1 to i32
    %cond3A = arith.constant 0 : i32
    %cond3A_8 = arith.cmpi ne, %convert_element_type3A, %cond3A : i32
    scf.if %cond3A_8 {
      "tpu.region"() ({
        %run_scoped3A = tpu.sem_alloc : memref<!tpu.dma_semaphore, #tpu.memory_space<semaphore_mem>>
        tpu.enqueue_dma source(%arg9 : memref<10000xf32, #tpu.memory_space<vmem>>) target(%arg6 : memref<10000xf32, #tpu.memory_space<hbm>>) target_semaphore(%run_scoped3A : memref<!tpu.dma_semaphore, #tpu.memory_space<semaphore_mem>>)
        tpu.wait_dma2 semaphore(%run_scoped3A : memref<!tpu.dma_semaphore, #tpu.memory_space<semaphore_mem>>) src(%arg9 : memref<10000xf32, #tpu.memory_space<vmem>>) dst(%arg6 : memref<10000xf32, #tpu.memory_space<hbm>>)
        tpu.yield
      }) : () -> ()
    } else {
    }
    %scan3A_9 = arith.constant 0 : i32
    %scan3A_10 = arith.constant 320 : i32
    %scan3A_11 = arith.addi %scan3A_9, %scan3A_10 : i32
    %scan3A_12 = arith.constant 4 : i32
    scf.for %scan3A_14 = %scan3A_9 to %scan3A_11 step %scan3A_12  : i32 {
      %mul3A_15 = arith.constant 1 : i32
      %mul3A_16 = arith.muli %scan3A_14, %mul3A_15 : i32
      %add3A_17 = arith.constant 0 : i32
      %add3A_18 = arith.addi %add3A_17, %mul3A_16 : i32
      %mul3A_19 = arith.constant 16 : i32
      %mul3A_20 = arith.muli %add3A_18, %mul3A_19 : i32
      %get3A = arith.index_cast %mul3A_20 : i32 to index
      %get3A_21 = tpu.vector_load %arg11[%get3A] {strides = array<i32>} : memref<5120xi32, #tpu.memory_space<vmem>>, vector<16xi32>,
      %gather3A = tpu.vector_load_idx %arg8[%get3A_21] : memref<10000xf32, #tpu.memory_space<vmem>>[vector<16xi32>], vector<16xf32>,
      %get3A_22 = arith.index_cast %mul3A_20 : i32 to index
      %get3A_23 = tpu.vector_load %arg10[%get3A_22] {strides = array<i32>} : memref<5120xf32, #tpu.memory_space<vmem>>, vector<16xf32>,
      %mul3A_24 = arith.mulf %get3A_23, %gather3A : vector<16xf32>
      %swap3A = arith.index_cast %mul3A_20 : i32 to index
      %swap3A_25 = tpu.vector_load %arg12[%swap3A] {strides = array<i32>} : memref<5120xf32, #tpu.memory_space<vmem>>, vector<16xf32>,
      tpu.vector_store %arg12[%swap3A], %mul3A_24 {strides = array<i32>} : memref<5120xf32, #tpu.memory_space<vmem>>, vector<16xf32>,
      %scan3A_26 = arith.constant 1 : i32
      %scan3A_27 = arith.addi %scan3A_14, %scan3A_26 : i32
      %mul3A_28 = arith.constant 1 : i32
      %mul3A_29 = arith.muli %scan3A_27, %mul3A_28 : i32
      %add3A_30 = arith.constant 0 : i32
      %add3A_31 = arith.addi %add3A_30, %mul3A_29 : i32
      %mul3A_32 = arith.constant 16 : i32
      %mul3A_33 = arith.muli %add3A_31, %mul3A_32 : i32
      %get3A_34 = arith.index_cast %mul3A_33 : i32 to index
      %get3A_35 = tpu.vector_load %arg11[%get3A_34] {strides = array<i32>} : memref<5120xi32, #tpu.memory_space<vmem>>, vector<16xi32>,
      %gather3A_36 = tpu.vector_load_idx %arg8[%get3A_35] : memref<10000xf32, #tpu.memory_space<vmem>>[vector<16xi32>], vector<16xf32>,
      %get3A_37 = arith.index_cast %mul3A_33 : i32 to index
      %get3A_38 = tpu.vector_load %arg10[%get3A_37] {strides = array<i32>} : memref<5120xf32, #tpu.memory_space<vmem>>, vector<16xf32>,
      %mul3A_39 = arith.mulf %get3A_38, %gather3A_36 : vector<16xf32>
      %swap3A_40 = arith.index_cast %mul3A_33 : i32 to index
      %swap3A_41 = tpu.vector_load %arg12[%swap3A_40] {strides = array<i32>} : memref<5120xf32, #tpu.memory_space<vmem>>, vector<16xf32>,
      tpu.vector_store %arg12[%swap3A_40], %mul3A_39 {strides = array<i32>} : memref<5120xf32, #tpu.memory_space<vmem>>, vector<16xf32>,
      %scan3A_42 = arith.constant 2 : i32
      %scan3A_43 = arith.addi %scan3A_14, %scan3A_42 : i32
      %mul3A_44 = arith.constant 1 : i32
      %mul3A_45 = arith.muli %scan3A_43, %mul3A_44 : i32
      %add3A_46 = arith.constant 0 : i32
      %add3A_47 = arith.addi %add3A_46, %mul3A_45 : i32
      %mul3A_48 = arith.constant 16 : i32
      %mul3A_49 = arith.muli %add3A_47, %mul3A_48 : i32
      %get3A_50 = arith.index_cast %mul3A_49 : i32 to index
      %get3A_51 = tpu.vector_load %arg11[%get3A_50] {strides = array<i32>} : memref<5120xi32, #tpu.memory_space<vmem>>, vector<16xi32>,
      %gather3A_52 = tpu.vector_load_idx %arg8[%get3A_51] : memref<10000xf32, #tpu.memory_space<vmem>>[vector<16xi32>], vector<16xf32>,
      %get3A_53 = arith.index_cast %mul3A_49 : i32 to index
      %get3A_54 = tpu.vector_load %arg10[%get3A_53] {strides = array<i32>} : memref<5120xf32, #tpu.memory_space<vmem>>, vector<16xf32>,
      %mul3A_55 = arith.mulf %get3A_54, %gather3A_52 : vector<16xf32>
      %swap3A_56 = arith.index_cast %mul3A_49 : i32 to index
      %swap3A_57 = tpu.vector_load %arg12[%swap3A_56] {strides = array<i32>} : memref<5120xf32, #tpu.memory_space<vmem>>, vector<16xf32>,
      tpu.vector_store %arg12[%swap3A_56], %mul3A_55 {strides = array<i32>} : memref<5120xf32, #tpu.memory_space<vmem>>, vector<16xf32>,
      %scan3A_58 = arith.constant 3 : i32
      %scan3A_59 = arith.addi %scan3A_14, %scan3A_58 : i32
      %mul3A_60 = arith.constant 1 : i32
      %mul3A_61 = arith.muli %scan3A_59, %mul3A_60 : i32
      %add3A_62 = arith.constant 0 : i32
      %add3A_63 = arith.addi %add3A_62, %mul3A_61 : i32
      %mul3A_64 = arith.constant 16 : i32
      %mul3A_65 = arith.muli %add3A_63, %mul3A_64 : i32
      %get3A_66 = arith.index_cast %mul3A_65 : i32 to index
      %get3A_67 = tpu.vector_load %arg11[%get3A_66] {strides = array<i32>} : memref<5120xi32, #tpu.memory_space<vmem>>, vector<16xi32>,
      %gather3A_68 = tpu.vector_load_idx %arg8[%get3A_67] : memref<10000xf32, #tpu.memory_space<vmem>>[vector<16xi32>], vector<16xf32>,
      %get3A_69 = arith.index_cast %mul3A_65 : i32 to index
      %get3A_70 = tpu.vector_load %arg10[%get3A_69] {strides = array<i32>} : memref<5120xf32, #tpu.memory_space<vmem>>, vector<16xf32>,
      %mul3A_71 = arith.mulf %get3A_70, %gather3A_68 : vector<16xf32>
      %swap3A_72 = arith.index_cast %mul3A_65 : i32 to index
      %swap3A_73 = tpu.vector_load %arg12[%swap3A_72] {strides = array<i32>} : memref<5120xf32, #tpu.memory_space<vmem>>, vector<16xf32>,
      tpu.vector_store %arg12[%swap3A_72], %mul3A_71 {strides = array<i32>} : memref<5120xf32, #tpu.memory_space<vmem>>, vector<16xf32>,
    }
    %scan3A_13 = arith.constant 320 : i32
    "tpu.region"() ({
      %run_scoped3A = tpu.sem_alloc : memref<!tpu.dma_semaphore, #tpu.memory_space<semaphore_mem>>
      %dma_start3A = tpu.memref_slice %arg5[%mul3A_2] : memref<163840xf32, #tpu.memory_space<hbm>> -> memref<5120xf32, #tpu.memory_space<hbm>>
      %dma_start3A_14 = tpu.memref_slice %arg5[%mul3A_2] : memref<163840xf32, #tpu.memory_space<hbm>> -> memref<5120xf32, #tpu.memory_space<hbm>>
      tpu.enqueue_dma source(%arg12 : memref<5120xf32, #tpu.memory_space<vmem>>) target(%dma_start3A_14 : memref<5120xf32, #tpu.memory_space<hbm>>) target_semaphore(%run_scoped3A : memref<!tpu.dma_semaphore, #tpu.memory_space<semaphore_mem>>)
      %dma_wait3A = tpu.memref_slice %arg5[%mul3A_2] : memref<163840xf32, #tpu.memory_space<hbm>> -> memref<5120xf32, #tpu.memory_space<hbm>>
      %dma_wait3A_15 = tpu.memref_slice %arg5[%mul3A_2] : memref<163840xf32, #tpu.memory_space<hbm>> -> memref<5120xf32, #tpu.memory_space<hbm>>
      tpu.wait_dma2 semaphore(%run_scoped3A : memref<!tpu.dma_semaphore, #tpu.memory_space<semaphore_mem>>) src(%arg12 : memref<5120xf32, #tpu.memory_space<vmem>>) dst(%dma_wait3A_15 : memref<5120xf32, #tpu.memory_space<hbm>>)
      tpu.yield
    }) : () -> ()
    return
  }
}

module attributes {stable_mosaic.version = 14 : i64} {
  func.func @_qk_body(%arg0: i32, %arg1: memref<1000x256xf32, #tpu.memory_space<vmem>>, %arg2: memref<256x256xf32, #tpu.memory_space<vmem>>, %arg3: memref<256x256xf32, #tpu.memory_space<vmem>>, %arg4: memref<1x256xf32, #tpu.memory_space<vmem>>, %arg5: memref<1x256xf32, #tpu.memory_space<vmem>>, %arg6: memref<1000x128xf32, #tpu.memory_space<vmem>>, %arg7: memref<1000x128xf32, #tpu.memory_space<vmem>>) attributes {dimension_semantics = [#tpu.dimension_semantics<arbitrary>], iteration_bounds = array<i64: 10>, scalar_prefetch = 0 : i64, scratch_operands = 0 : i64, tpu.core_type = #tpu.core_type<tc>, window_params = [{transform_indices = @transform_0, window_bounds = array<i64: 1000, 256>}, {pipeline_mode = #tpu.pipeline_mode<synchronous>, transform_indices = @transform_1, window_bounds = array<i64: 256, 256>}, {pipeline_mode = #tpu.pipeline_mode<synchronous>, transform_indices = @transform_2, window_bounds = array<i64: 256, 256>}, {pipeline_mode = #tpu.pipeline_mode<synchronous>, transform_indices = @transform_3, window_bounds = array<i64: 1, 256>}, {pipeline_mode = #tpu.pipeline_mode<synchronous>, transform_indices = @transform_4, window_bounds = array<i64: 1, 256>}, {transform_indices = @transform_5, window_bounds = array<i64: 1000, 128>}, {transform_indices = @transform_6, window_bounds = array<i64: 1000, 128>}]} {
    %get3A = arith.constant 0 : index
    %get3A_0 = arith.constant 0 : index
    %get3A_1 = vector.load %arg1[%get3A, %get3A_0] : memref<1000x256xf32, #tpu.memory_space<vmem>>, vector<1000x256xf32>
    %get3A_2 = arith.constant 0 : index
    %get3A_3 = arith.constant 0 : index
    %get3A_4 = vector.load %arg2[%get3A_2, %get3A_3] : memref<256x256xf32, #tpu.memory_space<vmem>>, vector<256x256xf32>
    %convert_element_type3A = arith.truncf %get3A_1 : vector<1000x256xf32> to vector<1000x256xbf16>
    %convert_element_type3A_5 = arith.truncf %get3A_4 : vector<256x256xf32> to vector<256x256xbf16>
    %dot_general3A = arith.constant dense<0.000000e+00> : vector<1000x256xf32>
    %dot_general3A_6 = tpu.matmul %convert_element_type3A, %convert_element_type3A_5, %dot_general3A {dimension_numbers = #tpu.dot_dimension_numbers<[1], [1], [0], [0], [0, 0, 1, 0], [], []>, transpose_lhs_hint = false} : vector<1000x256xbf16>, vector<256x256xbf16>, vector<1000x256xf32> -> vector<1000x256xf32>
    %get3A_7 = arith.constant 0 : index
    %get3A_8 = arith.constant 0 : index
    %get3A_9 = vector.load %arg4[%get3A_7, %get3A_8] : memref<1x256xf32, #tpu.memory_space<vmem>>, vector<1x256xf32>
    %add3A = vector.broadcast %get3A_9 : vector<1x256xf32> to vector<1000x256xf32>
    %add3A_10 = arith.addf %dot_general3A_6, %add3A : vector<1000x256xf32>
    %convert_element_type3A_11 = arith.truncf %add3A_10 : vector<1000x256xf32> to vector<1000x256xbf16>
    %bitcast_convert_type3A = tpu.bitcast %convert_element_type3A_11 : vector<1000x256xbf16> -> vector<1000x256xi16>
    %slice3A = vector.extract_strided_slice %bitcast_convert_type3A {offsets = [0, 0], sizes = [1000, 128], strides = [1, 1]} : vector<1000x256xi16> to vector<1000x128xi16>
    %convert_element_type3A_12 = arith.extui %slice3A : vector<1000x128xi16> to vector<1000x128xi32>
    %slice3A_13 = vector.extract_strided_slice %bitcast_convert_type3A {offsets = [0, 128], sizes = [1000, 128], strides = [1, 1]} : vector<1000x256xi16> to vector<1000x128xi16>
    %convert_element_type3A_14 = arith.extui %slice3A_13 : vector<1000x128xi16> to vector<1000x128xi32>
    %shift_left3A = arith.constant 16 : i32
    %shift_left3A_15 = vector.broadcast %shift_left3A : i32 to vector<1000x128xi32>
    %shift_left3A_16 = arith.shli %convert_element_type3A_14, %shift_left3A_15 : vector<1000x128xi32>
    %or3A = arith.ori %shift_left3A_16, %convert_element_type3A_12 : vector<1000x128xi32>
    %bitcast_convert_type3A_17 = tpu.bitcast %or3A : vector<1000x128xi32> -> vector<1000x128xf32>
    %swap3A = arith.constant 0 : index
    %swap3A_18 = arith.constant 0 : index
    %swap3A_19 = vector.load %arg6[%swap3A, %swap3A_18] : memref<1000x128xf32, #tpu.memory_space<vmem>>, vector<1000x128xf32>
    tpu.vector_store %arg6[%swap3A, %swap3A_18], %bitcast_convert_type3A_17 {strides = array<i32>} : memref<1000x128xf32, #tpu.memory_space<vmem>>, vector<1000x128xf32>,
    %get3A_20 = arith.constant 0 : index
    %get3A_21 = arith.constant 0 : index
    %get3A_22 = vector.load %arg3[%get3A_20, %get3A_21] : memref<256x256xf32, #tpu.memory_space<vmem>>, vector<256x256xf32>
    %convert_element_type3A_23 = arith.truncf %get3A_1 : vector<1000x256xf32> to vector<1000x256xbf16>
    %convert_element_type3A_24 = arith.truncf %get3A_22 : vector<256x256xf32> to vector<256x256xbf16>
    %dot_general3A_25 = arith.constant dense<0.000000e+00> : vector<1000x256xf32>
    %dot_general3A_26 = tpu.matmul %convert_element_type3A_23, %convert_element_type3A_24, %dot_general3A_25 {dimension_numbers = #tpu.dot_dimension_numbers<[1], [1], [0], [0], [0, 0, 1, 0], [], []>, transpose_lhs_hint = false} : vector<1000x256xbf16>, vector<256x256xbf16>, vector<1000x256xf32> -> vector<1000x256xf32>
    %get3A_27 = arith.constant 0 : index
    %get3A_28 = arith.constant 0 : index
    %get3A_29 = vector.load %arg5[%get3A_27, %get3A_28] : memref<1x256xf32, #tpu.memory_space<vmem>>, vector<1x256xf32>
    %add3A_30 = vector.broadcast %get3A_29 : vector<1x256xf32> to vector<1000x256xf32>
    %add3A_31 = arith.addf %dot_general3A_26, %add3A_30 : vector<1000x256xf32>
    %convert_element_type3A_32 = arith.truncf %add3A_31 : vector<1000x256xf32> to vector<1000x256xbf16>
    %bitcast_convert_type3A_33 = tpu.bitcast %convert_element_type3A_32 : vector<1000x256xbf16> -> vector<1000x256xi16>
    %slice3A_34 = vector.extract_strided_slice %bitcast_convert_type3A_33 {offsets = [0, 0], sizes = [1000, 128], strides = [1, 1]} : vector<1000x256xi16> to vector<1000x128xi16>
    %convert_element_type3A_35 = arith.extui %slice3A_34 : vector<1000x128xi16> to vector<1000x128xi32>
    %slice3A_36 = vector.extract_strided_slice %bitcast_convert_type3A_33 {offsets = [0, 128], sizes = [1000, 128], strides = [1, 1]} : vector<1000x256xi16> to vector<1000x128xi16>
    %convert_element_type3A_37 = arith.extui %slice3A_36 : vector<1000x128xi16> to vector<1000x128xi32>
    %shift_left3A_38 = arith.constant 16 : i32
    %shift_left3A_39 = vector.broadcast %shift_left3A_38 : i32 to vector<1000x128xi32>
    %shift_left3A_40 = arith.shli %convert_element_type3A_37, %shift_left3A_39 : vector<1000x128xi32>
    %or3A_41 = arith.ori %shift_left3A_40, %convert_element_type3A_35 : vector<1000x128xi32>
    %bitcast_convert_type3A_42 = tpu.bitcast %or3A_41 : vector<1000x128xi32> -> vector<1000x128xf32>
    %swap3A_43 = arith.constant 0 : index
    %swap3A_44 = arith.constant 0 : index
    %swap3A_45 = vector.load %arg7[%swap3A_43, %swap3A_44] : memref<1000x128xf32, #tpu.memory_space<vmem>>, vector<1000x128xf32>
    tpu.vector_store %arg7[%swap3A_43, %swap3A_44], %bitcast_convert_type3A_42 {strides = array<i32>} : memref<1000x128xf32, #tpu.memory_space<vmem>>, vector<1000x128xf32>,
    return
  }
  func.func @transform_0(%arg0: i32) -> (i32, i32) {
    %c0_i32 = arith.constant 0 : i32
    %c0_i32_0 = arith.constant 0 : i32
    return %arg0, %c0_i32 : i32, i32
  }
  func.func @transform_1(%arg0: i32) -> (i32, i32) {
    %c0_i32 = arith.constant 0 : i32
    %c0_i32_0 = arith.constant 0 : i32
    %c0_i32_1 = arith.constant 0 : i32
    return %c0_i32, %c0_i32_0 : i32, i32
  }
  func.func @transform_2(%arg0: i32) -> (i32, i32) {
    %c0_i32 = arith.constant 0 : i32
    %c0_i32_0 = arith.constant 0 : i32
    %c0_i32_1 = arith.constant 0 : i32
    return %c0_i32, %c0_i32_0 : i32, i32
  }
  func.func @transform_3(%arg0: i32) -> (i32, i32) {
    %c0_i32 = arith.constant 0 : i32
    %c0_i32_0 = arith.constant 0 : i32
    %c0_i32_1 = arith.constant 0 : i32
    return %c0_i32, %c0_i32_0 : i32, i32
  }
  func.func @transform_4(%arg0: i32) -> (i32, i32) {
    %c0_i32 = arith.constant 0 : i32
    %c0_i32_0 = arith.constant 0 : i32
    %c0_i32_1 = arith.constant 0 : i32
    return %c0_i32, %c0_i32_0 : i32, i32
  }
  func.func @transform_5(%arg0: i32) -> (i32, i32) {
    %c0_i32 = arith.constant 0 : i32
    %c0_i32_0 = arith.constant 0 : i32
    return %arg0, %c0_i32 : i32, i32
  }
  func.func @transform_6(%arg0: i32) -> (i32, i32) {
    %c0_i32 = arith.constant 0 : i32
    %c0_i32_0 = arith.constant 0 : i32
    return %arg0, %c0_i32 : i32, i32
  }
}

module attributes {stable_mosaic.version = 14 : i64} {
  func.func @_out_body(%arg0: i32, %arg1: memref<1000x256xf32, #tpu.memory_space<vmem>>, %arg2: memref<1000x1xf32, #tpu.memory_space<vmem>>, %arg3: memref<256x256xf32, #tpu.memory_space<vmem>>, %arg4: memref<1x256xf32, #tpu.memory_space<vmem>>, %arg5: memref<256x256xf32, #tpu.memory_space<vmem>>, %arg6: memref<1x256xf32, #tpu.memory_space<vmem>>, %arg7: memref<1000x256xf32, #tpu.memory_space<vmem>>) attributes {dimension_semantics = [#tpu.dimension_semantics<arbitrary>], iteration_bounds = array<i64: 10>, scalar_prefetch = 0 : i64, scratch_operands = 0 : i64, tpu.core_type = #tpu.core_type<tc>, window_params = [{transform_indices = @transform_0, window_bounds = array<i64: 1000, 256>}, {transform_indices = @transform_1, window_bounds = array<i64: 1000, 1>}, {pipeline_mode = #tpu.pipeline_mode<synchronous>, transform_indices = @transform_2, window_bounds = array<i64: 256, 256>}, {pipeline_mode = #tpu.pipeline_mode<synchronous>, transform_indices = @transform_3, window_bounds = array<i64: 1, 256>}, {pipeline_mode = #tpu.pipeline_mode<synchronous>, transform_indices = @transform_4, window_bounds = array<i64: 256, 256>}, {pipeline_mode = #tpu.pipeline_mode<synchronous>, transform_indices = @transform_5, window_bounds = array<i64: 1, 256>}, {transform_indices = @transform_6, window_bounds = array<i64: 1000, 256>}]} {
    %get3A = arith.constant 0 : index
    %get3A_0 = arith.constant 0 : index
    %get3A_1 = vector.load %arg1[%get3A, %get3A_0] : memref<1000x256xf32, #tpu.memory_space<vmem>>, vector<1000x256xf32>
    %get3A_2 = arith.constant 0 : index
    %get3A_3 = arith.constant 0 : index
    %get3A_4 = vector.load %arg3[%get3A_2, %get3A_3] : memref<256x256xf32, #tpu.memory_space<vmem>>, vector<256x256xf32>
    %convert_element_type3A = arith.truncf %get3A_1 : vector<1000x256xf32> to vector<1000x256xbf16>
    %convert_element_type3A_5 = arith.truncf %get3A_4 : vector<256x256xf32> to vector<256x256xbf16>
    %dot_general3A = arith.constant dense<0.000000e+00> : vector<1000x256xf32>
    %dot_general3A_6 = tpu.matmul %convert_element_type3A, %convert_element_type3A_5, %dot_general3A {dimension_numbers = #tpu.dot_dimension_numbers<[1], [1], [0], [0], [0, 0, 1, 0], [], []>, transpose_lhs_hint = false} : vector<1000x256xbf16>, vector<256x256xbf16>, vector<1000x256xf32> -> vector<1000x256xf32>
    %get3A_7 = arith.constant 0 : index
    %get3A_8 = arith.constant 0 : index
    %get3A_9 = vector.load %arg4[%get3A_7, %get3A_8] : memref<1x256xf32, #tpu.memory_space<vmem>>, vector<1x256xf32>
    %add3A = vector.broadcast %get3A_9 : vector<1x256xf32> to vector<1000x256xf32>
    %add3A_10 = arith.addf %dot_general3A_6, %add3A : vector<1000x256xf32>
    %get3A_11 = arith.constant 0 : index
    %get3A_12 = arith.constant 0 : index
    %get3A_13 = vector.load %arg2[%get3A_11, %get3A_12] : memref<1000x1xf32, #tpu.memory_space<vmem>>, vector<1000x1xf32>
    %mul3A = vector.broadcast %get3A_13 : vector<1000x1xf32> to vector<1000x256xf32>
    %mul3A_14 = arith.mulf %add3A_10, %mul3A : vector<1000x256xf32>
    %get3A_15 = arith.constant 0 : index
    %get3A_16 = arith.constant 0 : index
    %get3A_17 = vector.load %arg5[%get3A_15, %get3A_16] : memref<256x256xf32, #tpu.memory_space<vmem>>, vector<256x256xf32>
    %convert_element_type3A_18 = arith.truncf %mul3A_14 : vector<1000x256xf32> to vector<1000x256xbf16>
    %convert_element_type3A_19 = arith.truncf %get3A_17 : vector<256x256xf32> to vector<256x256xbf16>
    %dot_general3A_20 = arith.constant dense<0.000000e+00> : vector<1000x256xf32>
    %dot_general3A_21 = tpu.matmul %convert_element_type3A_18, %convert_element_type3A_19, %dot_general3A_20 {dimension_numbers = #tpu.dot_dimension_numbers<[1], [1], [0], [0], [0, 0, 1, 0], [], []>, transpose_lhs_hint = false} : vector<1000x256xbf16>, vector<256x256xbf16>, vector<1000x256xf32> -> vector<1000x256xf32>
    %get3A_22 = arith.constant 0 : index
    %get3A_23 = arith.constant 0 : index
    %get3A_24 = vector.load %arg6[%get3A_22, %get3A_23] : memref<1x256xf32, #tpu.memory_space<vmem>>, vector<1x256xf32>
    %add3A_25 = vector.broadcast %get3A_24 : vector<1x256xf32> to vector<1000x256xf32>
    %add3A_26 = arith.addf %dot_general3A_21, %add3A_25 : vector<1000x256xf32>
    %swap3A = arith.constant 0 : index
    %swap3A_27 = arith.constant 0 : index
    %swap3A_28 = vector.load %arg7[%swap3A, %swap3A_27] : memref<1000x256xf32, #tpu.memory_space<vmem>>, vector<1000x256xf32>
    tpu.vector_store %arg7[%swap3A, %swap3A_27], %add3A_26 {strides = array<i32>} : memref<1000x256xf32, #tpu.memory_space<vmem>>, vector<1000x256xf32>,
    return
  }
  func.func @transform_0(%arg0: i32) -> (i32, i32) {
    %c0_i32 = arith.constant 0 : i32
    %c0_i32_0 = arith.constant 0 : i32
    return %arg0, %c0_i32 : i32, i32
  }
  func.func @transform_1(%arg0: i32) -> (i32, i32) {
    %c0_i32 = arith.constant 0 : i32
    %c0_i32_0 = arith.constant 0 : i32
    return %arg0, %c0_i32 : i32, i32
  }
  func.func @transform_2(%arg0: i32) -> (i32, i32) {
    %c0_i32 = arith.constant 0 : i32
    %c0_i32_0 = arith.constant 0 : i32
    %c0_i32_1 = arith.constant 0 : i32
    return %c0_i32, %c0_i32_0 : i32, i32
  }
  func.func @transform_3(%arg0: i32) -> (i32, i32) {
    %c0_i32 = arith.constant 0 : i32
    %c0_i32_0 = arith.constant 0 : i32
    %c0_i32_1 = arith.constant 0 : i32
    return %c0_i32, %c0_i32_0 : i32, i32
  }
  func.func @transform_4(%arg0: i32) -> (i32, i32) {
    %c0_i32 = arith.constant 0 : i32
    %c0_i32_0 = arith.constant 0 : i32
    %c0_i32_1 = arith.constant 0 : i32
    return %c0_i32, %c0_i32_0 : i32, i32
  }
  func.func @transform_5(%arg0: i32) -> (i32, i32) {
    %c0_i32 = arith.constant 0 : i32
    %c0_i32_0 = arith.constant 0 : i32
    %c0_i32_1 = arith.constant 0 : i32
    return %c0_i32, %c0_i32_0 : i32, i32
  }
  func.func @transform_6(%arg0: i32) -> (i32, i32) {
    %c0_i32 = arith.constant 0 : i32
    %c0_i32_0 = arith.constant 0 : i32
    return %arg0, %c0_i32 : i32, i32
  }
}

</mosaic_0001>

<sc_bundles>
// kernel: kernel.6.cloned.1.call-start
scs
__scs_entry_jumppad:
0x0: {  	(pc) =	sbr.rel $0x88, $3  }
0x1: {  	(tag) =	ssettag $0x0;
	lr =	simm.s32 $0x1  }
0x2: {  	[smem:$0x3F95] =	sst lr;
	_ =	strace $0xD0000000  }
0x3: {  	_ = 	snop  }
0x4: {  	_ = 	snop  }
0x5: {  	_ = 	snop  }
0x6: {  	_ = 	snop  }
0x7: {  	_ = 	snop  }
__scs_overlays_trampoline_lowered:
0x8: {  	[smem:$0x3FA4] =	sst s0  }
0x9: {  	[smem:$0x3FA5] =	sst s1  }
0xa: {  	[smem:$0x3FA6] =	sst s2  }
0xb: {  	[smem:$0x3FA7] =	sst s3  }
0xc: {  	[smem:$0x3FA8] =	sst s4  }
0xd: {  	[smem:$0x3FA9] =	sst s5  }
0xe: {  	[smem:$0x3FAA] =	sst s6  }
0xf: {  	[smem:$0x3FAB] =	sst s7  }
0x10: {  	[smem:$0x3FAC] =	sst s8  }
0x11: {  	[smem:$0x3FAD] =	sst s9;
	s0 =	simm.s32 @!p0 $0x0  }
0x12: {  	s1 =	sld [smem:$0x3F93];
	s0 =	simm.s32 @p0 $0x1  }
0x13: {  	[smem:$0x3FAE] =	sst s0;
	s0 =	simm.s32 @!p1 $0x0  }
0x14: {  	s2 =	sld [smem:$0x3F92];
	s0 =	simm.s32 @p1 $0x1  }
0x15: {  	[smem:$0x3FAF] =	sst s0;
	s0 =	simm.s32 @!p2 $0x0  }
0x16: {  	s3 =	sld [smem:$0x3FDB];
	s0 =	simm.s32 @p2 $0x1  }
0x17: {  	s4 =	simm.s32 $0x1BF5;
	[smem:$0x3FB1] =	sst s0  }
0x18: {  	s0 =	sld [smem:$0x3F94];
	_ =	swait.ge [sflag:s4], $0x0  }
0x19: {  	s7 =	sld [smem:$0x3F95]  }
0x1a: {  	s8 =	sadd.s32 $0xFFFFE003, lr  }
0x1b: {  	s9 =	sadd.s32 $0xFFFFFEF7, lr;
	s5 =	simm.s32 $0xFFFFFFFF;
	p2 =	slt.u32 s8, $0xFFFFF086  }
0x1c: {  	p1 =	slt.u32 s9, $0xF7A;
	s5 =	simm.s32 @!p2 $0x0  }
0x1d: {  	s5 =	simm.s32 @p1 $0x1;
	p0 =	seq.s32 s7, s2  }
0x1e: {  	s7 =	smul.u32 @!p0 $0xF7A, s2;
	p2 =	seq.s32 @!p0 s5, $0x0  }
0x1f: {  	s9 =	smul.u32 $0xF7A, s1;
	s8 =	simm.s32 @!p0 $0x1BF5;
	p2 =	por !p2, p0  }
0x20: {  	[sflag:s8] =	ssyncset.s32 @!p0 $0xFFFFF086;
	s6 =	sadd.s32 @!p0 s3, s7;
	s7 =	simm.s32 @!p0 $0x108  }
0x21: {  	s3 =	sadd.s32 s3, s9;
	s6 =	sadd.s32 @!p0 $0x88, s6;
	s7 =	simm.s32 @p2 $0x1082  }
0x22: {  	[simem:s7], [sflag:s8] =	dma.local @!p0 [hbm:s6], $0xF7A  }
0x23: {  	s9 =	sor.u32 $0xD0000000, s2;
	s6 =	simm.s32 $0x108;
	_ =	swait.ge @!p0 [sflag:s8], $0x0  }
0x24: {  	s3 =	sadd.s32 $0x88, s3;
	s6 =	simm.s32 @!p1 $0x1082;
	[sflag:s4] =	ssyncset.s32 $0xFFFFF086  }
0x25: {  	[simem:s6], [sflag:s4] =	dma.local [hbm:s3], $0xF7A  }
0x26: {  	[smem:$0x3F95] =	sst s1;
	(tag) =	ssettag s2;
	_ =	strace s9  }
0x27: {  	s1 =	sld [smem:$0x3FA5]  }
0x28: {  	s2 =	sld [smem:$0x3FA6]  }
0x29: {  	s4 =	sld [smem:$0x3FA8]  }
0x2a: {  	p0 =	seq.s32 s5, $0x0;
	s5 =	sld [smem:$0x3FA9]  }
0x2b: {  	s6 =	sld [smem:$0x3FAA]  }
0x2c: {  	s7 =	sld [smem:$0x3FAB]  }
0x2d: {  	s3 =	simm.s32 $0x108;
	s8 =	sld [smem:$0x3FAC]  }
0x2e: {  	s3 =	simm.s32 @!p0 $0x1082;
	s9 =	sld [smem:$0x3FAD]  }
0x2f: {  	lr =	sadd.s32 s0, s3;
	s0 =	sld [smem:$0x3FA4]  }
0x30: {  	s3 =	sld [smem:$0x3FA7]  }
0x31: {  	[smem:$0x3FB0] =	sst s10  }
0x32: {  	s10 =	sld [smem:$0x3FAE];
	_ =	sdelay $0x3  }
0x33: {  	p0 =	seq.s32 s10, $0x1;
	s10 =	sld [smem:$0x3FB0];
	_ =	sdelay $0x3  }
0x34: {  	[smem:$0x3FB0] =	sst s10  }
0x35: {  	s10 =	sld [smem:$0x3FAF];
	_ =	sdelay $0x3  }
0x36: {  	p1 =	seq.s32 s10, $0x1;
	s10 =	sld [smem:$0x3FB0];
	_ =	sdelay $0x3  }
0x37: {  	[smem:$0x3FB0] =	sst s10  }
0x38: {  	s10 =	sld [smem:$0x3FB1]  }
0x39: {  	_ = 	snop;
	(pc) =	sbr.ind lr, $3  }
0x3a: {  	_ = 	snop  }
0x3b: {  	_ = 	snop  }
0x3c: {  	p2 =	seq.s32 s10, $0x1;
	s10 =	sld [smem:$0x3FB0]  }
0x3d: {  	_ =	shalt  }
0x3e: {  	_ =	shalt  }
0x3f: {  	_ =	shalt  }
0x40: {  	_ =	shalt  }
0x41: {  	_ =	shalt  }
0x42: {  	_ =	shalt  }
0x43: {  	_ =	shalt  }
0x44: {  	_ =	shalt  }
0x45: {  	_ =	shalt  }
0x46: {  	_ =	shalt  }
0x47: {  	_ =	shalt  }
0x48: {  	_ =	shalt  }
0x49: {  	_ =	shalt  }
0x4a: {  	_ =	shalt  }
0x4b: {  	_ =	shalt  }
0x4c: {  	_ =	shalt  }
0x4d: {  	_ =	shalt  }
0x4e: {  	_ =	shalt  }
0x4f: {  	_ =	shalt  }
0x50: {  	_ =	shalt  }
0x51: {  	_ =	shalt  }
0x52: {  	_ =	shalt  }
0x53: {  	_ =	shalt  }
0x54: {  	_ =	shalt  }
0x55: {  	_ =	shalt  }
0x56: {  	_ =	shalt  }
0x57: {  	_ =	shalt  }
0x58: {  	_ =	shalt  }
0x59: {  	_ =	shalt  }
0x5a: {  	_ =	shalt  }
0x5b: {  	_ =	shalt  }
0x5c: {  	_ =	shalt  }
0x5d: {  	_ =	shalt  }
0x5e: {  	_ =	shalt  }
0x5f: {  	_ =	shalt  }
0x60: {  	_ =	shalt  }
0x61: {  	_ =	shalt  }
0x62: {  	_ =	shalt  }
0x63: {  	_ =	shalt  }
0x64: {  	_ =	shalt  }
0x65: {  	_ =	shalt  }
0x66: {  	_ =	shalt  }
0x67: {  	_ =	shalt  }
0x68: {  	_ =	shalt  }
0x69: {  	_ =	shalt  }
0x6a: {  	_ =	shalt  }
0x6b: {  	_ =	shalt  }
0x6c: {  	_ =	shalt  }
0x6d: {  	_ =	shalt  }
0x6e: {  	_ =	shalt  }
0x6f: {  	_ =	shalt  }
0x70: {  	_ =	shalt  }
0x71: {  	_ =	shalt  }
0x72: {  	_ =	shalt  }
0x73: {  	_ =	shalt  }
0x74: {  	_ =	shalt  }
0x75: {  	_ =	shalt  }
0x76: {  	_ =	shalt  }
0x77: {  	_ =	shalt  }
0x78: {  	_ =	shalt  }
0x79: {  	_ =	shalt  }
0x7a: {  	_ =	shalt  }
0x7b: {  	_ =	shalt  }
0x7c: {  	_ =	shalt  }
0x7d: {  	_ =	shalt  }
0x7e: {  	_ =	shalt  }
0x7f: {  	_ =	shalt  }
0x80: {  	_ =	shalt  }
0x81: {  	_ =	shalt  }
0x82: {  	_ =	shalt  }
0x83: {  	_ =	shalt  }
0x84: {  	_ =	shalt  }
0x85: {  	_ =	shalt  }
0x86: {  	_ =	shalt  }
0x87: {  	_ =	shalt  }
.Lfunc_end0:
.L_simem_size_0:
called_computation_lowered:
.L_overlay_start_0:
0x88: {  	s2 =	sld [smem:$0x3FD9]  }
0x89: {  	s3 =	sld [smem:$0x3FFE];
	_ =	sdelay $0x1  }
0x8a: {  	s1 =	srdreg.scid  }
0x8b: {  	s0 =	sand.u32 $0x1, s1  }
0x8c: {  	s14 =	sshll.u32 s0, $0xA;
	s2 =	sadd.s32 s3, s2  }
0x8d: {  	s2 =	sadd.s32 s2, s14  }
0x8e: {  	[smem:$0x3FBC] =	sst s2  }
0x8f: {  	_ = 	snop  }
0x90: {  	s2 =	sld [smem:$0x3FD0];
	_ =	sdelay $0x2  }
0x91: {  	s15 =	simm.s32 $0xA;
	s4 =	simm.s32 $0x10  }
0x92: {  	[smem:s4], [sflag:s15] =	dma.local [hbm:s2], $0x1  }
0x93: {  	_ =	swait.eq [sflag:s15], $0x1  }
0x94: {  	[sflag:s15] =	ssyncset.done $0x0  }
0x95: {  	s16 =	sld [smem:$0x10];
	[sflag:s15] =	ssyncadd.s32 $0xFFFFFFFF  }
0x96: {  	s17 =	sld [smem:$0x11];
	(tm) =	ssettm $0x1  }
0x97: {  	s18 =	sld [smem:$0x3FFB];
	_ =	sdelay $0x3  }
0x98: {  	_ =	strace s18  }
0x99: {  	s4 =	sld [smem:$0x3FFC];
	_ =	sdelay $0x3  }
0x9a: {  	_ =	strace s4  }
0x9b: {  	s4 =	sld [smem:$0x3FFD];
	_ =	sdelay $0x3  }
0x9c: {  	_ =	strace s4  }
0x9d: {  	_ =	strace $0x8FFFFFFF  }
0x9e: {  	s19 =	sld [smem:$0x3FDB];
	_ =	sdelay $0x1  }
0x9f: {  	s5 =	simm.s32 $_scs_section_size  }
0xa0: {  	s6 =	simm.s32 $_size__tile_overlayer_lowered;
	s7 =	simm.s32 $_tile_overlayer_lowered  }
0xa1: {  	s22 =	simm.s32 $0x1BFF;
	s21 =	sshll.u32 s7, $0x1;
	s4 =	sadd.s32 s5, s19  }
0xa2: {  	s8 =	simm.s32 $0x0;
	s20 =	sshll.u32 s6, $0x1;
	s6 =	sadd.s32 s21, s4  }
0xa3: {  	[timem:s8], [sflag:s22] =	dma.local [hbm:s6], s20  }
0xa4: {  	_ =	swait.ge [sflag:s22], s20  }
0xa5: {  	s5 =	ssub.s32 $0x0, s20;
	[sflag:s22] =	ssyncset.done $0x0  }
0xa6: {  	[sflag:s22] =	ssyncadd.s32 s5;
	_ =	sdelay $0x1  }
0xa7: {  	s23 =	simm.s32 $0x1B8B  }
0xa8: {  	_ =	swait.ge [sflag:s23], $0x1  }
0xa9: {  	[sflag:s23] =	ssyncset.done $0x0  }
0xaa: {  	s25 =	simm.s32 $0x1B8E;
	s24 =	sld [smem:$0x3FFE];
	[sflag:s23] =	ssyncadd.s32 $0xFFFFFFFF  }
0xab: {  	s26 =	simm.s32 $execute0_lowered;
	[smem:$0x3FD2] =	sst s25  }
0xac: {  	s6 =	sshll.u32 s26, $0x1;
	_ =	strace $0x80000046;
	[dreg:$0x1] =	wrdreg $0xFFFFFFFF  }
0xad: {  	s28 =	simm.s32 $_size_execute0_lowered;
	s4 =	sadd.s32 s4, s6;
	[dreg:$0x0] =	wrdreg $0x0  }
0xae: {  	s6 =	sshll.u32 s28, $0x1;
	[dreg:$0x2] =	wrdreg s4  }
0xaf: {  	[dreg:$0x3] =	wrdreg s6  }
0xb0: {  	[dreg:$0x4] =	wrdreg $0xC0  }
0xb1: {  	_ =	task [dreg:s8], $0x5FFFF  }
0xb2: {  	[dreg:$0x1] =	wrdreg $0xFFFFFFFF  }
0xb3: {  	[dreg:$0x0] =	wrdreg $0x60  }
0xb4: {  	[dreg:$0x2] =	wrdreg s16  }
0xb5: {  	[dreg:$0x3] =	wrdreg s24  }
0xb6: {  	[dreg:$0x4] =	wrdreg s17  }
0xb7: {  	[dreg:$0x5] =	wrdreg $0xE5E00  }
0xb8: {  	[dreg:$0x6] =	wrdreg $0x9  }
0xb9: {  	_ =	task.clear_ibuf [dreg:s8], $0x7FFFF;
	_ =	strace $0x90000046  }
0xba: {  	s29 =	simm.s32 $0x9;
	_ =	strace $0x80000048  }
0xbb: {  	_ =	swait.ge [sflag:s29], $0x1  }
0xbc: {  	[sflag:s29] =	ssyncadd.s32 $0xFFFFFFFF  }
0xbd: {  	_ =	strace $0x90000048  }
0xbe: {  	_ =	sfence  }
0xbf: {  	s30 =	sld [smem:$0x0];
	_ =	sdelay $0x2  }
0xc0: {  	s31 =	sshll.u32 s1, $0xD;
	s1 =	sshrl.u32 s1, $0x2  }
0xc1: {  	s3 =	sand.u32 $0x4000, s31;
	s1 =	sadd.s32 s1, s30  }
0xc2: {  	s0 =	sor.u32 s3, s0;
	s1 =	sshll.u32 s1, $0x11  }
0xc3: {  	s0 =	sor.u32 s1, s0  }
0xc4: {  	s0 =	sadd.s32 $0x8F2B, s0  }
0xc5: {  	[sflag:s0] =	ssyncadd.remote.s32 $0x1  }
0xc6: {  	_ =	sfence.sel $0xFFFF  }
0xc7: {  	[dreg:$0x0] =	wrdreg $0xFFFFFFFF;
	(pc) =	sbr.abs _section_cstart, $3  }
0xc8: {  	[dreg:$0x1] =	wrdreg $0xFFFFFFFF  }
0xc9: {  	_ =	task.clear_ibuf [dreg:s8], $0x2FFFF;
	_ =	strace $0x9FFFFFFF  }
0xca: {  	(tm) =	ssettm $0x7FFFFFFF  }
0xcb: {  	_ =	shalt  }
tec
execute0_lowered:
.L_overlay_start_1:
0x0: {  	(tag) =	ssettag $0x1  }
0x1: {  	s21 =	rddreg [dreg:$0x0]  }
0x2: {  	s0 =	rddreg [dreg:$0x1]  }
0x3: {  	s1 =	rddreg [dreg:$0x2];
	s3 =	srdreg.scid  }
0x4: {  	s7 =	stileid.u32;
	s22 =	rddreg [dreg:$0x3];
	s26 =	simm.s32 $0x0  }
0x5: {  	s14 =	simm.s32 $0x3C50;
	s28 =	simm.s32 $0x64F0;
	s29 =	simm.s32 $0xB4F0  }
0x6: {  	s30 =	simm.s32 $0x1;
	s31 =	simm.s32 $0xE4D0;
	s9 =	sand.u32 $0x1, s3  }
0x7: {  	s4 =	sshll.u32 s7, $0x1;
	[smem:$0x7FF] =	sst s26;
	s5 =	sadd.s32 $0x11E00, s0  }
0x8: {  	s6 =	sadd.s32 $0xCE00, s0;
	s2 =	sadd.s32 $0x39000, s0;
	s8 =	sadd.s32 $0x39200, s0  }
0x9: {  	s17 =	sadd.s32 $0x7D0, s22;
	s18 =	sadd.s32 $0xFA0, s22;
	s19 =	sadd.s32 $0x1770, s22  }
0xa: {  	s20 =	sadd.s32 $0x1F40, s22;
	_ =	strace $0x80000047;
	[dreg:$0x5] =	wrdreg s2  }
0xb: {  	p0 =	sne.s32 s7, $0x0;
	s4 =	sor.u32 s9, s4;
	[dreg:$0x6] =	wrdreg s17  }
0xc: {  	v0 =	vlaneseq.u32;
	s11 =	ssub.s32 $0x2, s9;
	[dreg:$0x7] =	wrdreg s18;
	s9 =	smul.u32 $0x4E2, s9  }
0xd: {  	v1 =	vimm.f32 $0.0e+00;
	v2 =	vor.u32 $0x10, v0;
	v3 =	vor.u32 $0x20, v0;
	s3 =	simm.s32 $0x0;
	[dreg:$0x8] =	wrdreg s19;
	s4 =	smul.u32 $0x1400, s4  }
0xe: {  	v4 =	vor.u32 $0x30, v0;
	v5 =	vor.u32 $0x40, v0;
	v6 =	vmul.u32 $0x11, v0;
	[dreg:$0x9] =	wrdreg s20;
	s19 =	simm.s32 $0x3;
	s18 =	simm.s32 $0x2  }
0xf: {  	v7 =	vor.u32 $0x50, v0;
	v8 =	vor.u32 $0x60, v0;
	v9 =	vor.u32 $0x70, v0;
	s13 =	sshrl.u32 s11, $0x1;
	s1 =	sadd.s32 s1, s9;
	s10 =	sshrl.u32 s4, $0x3  }
0x10: {  	v10 =	vadd.s32 $0x1, v6;
	v11 =	vadd.s32 $0x2, v6;
	v12 =	vadd.s32 $0x3, v6;
	s16 =	ssub.s32 s11, s13;
	[dreg:$0xd] =	wrdreg s1;
	s24 =	sadd.s32 s6, s10  }
0x11: {  	v13 =	vadd.s32 $0x4, v6;
	v14 =	vadd.s32 $0x5, v6;
	v15 =	vadd.s32 $0x6, v6;
	s12 =	sadd.s32 s10, s0;
	s0 =	smax.u32 s16, $0x1;
	[dreg:$0xb] =	wrdreg s24  }
0x12: {  	v16 =	vadd.s32 $0x7, v6;
	v17 =	vadd.s32 $0x8, v6;
	v18 =	vadd.s32 $0x9, v6;
	s1 =	simm.s32 $0x3CA0;
	s23 =	sadd.s32 $0x7E00, s12;
	[dreg:$0xe] =	wrdreg s0  }
0x13: {  	v19 =	vadd.s32 $0xA, v6;
	v20 =	vadd.s32 $0xB, v6;
	v21 =	vadd.s32 $0xC, v6;
	s25 =	sadd.s32 $0x2E00, s12;
	s24 =	simm.s32 $0x3CF0;
	[dreg:$0xa] =	wrdreg s23  }
0x14: {  	v22 =	vadd.s32 $0xD, v6;
	v23 =	vadd.s32 $0xE, v6;
	v24 =	vadd.s32 $0xF, v6;
	[dreg:$0xc] =	wrdreg s25;
	s23 =	simm.s32 $0x50;
	s25 =	simm.s32 $0x8CF0  }
.LBB2_1:
0x15: {  	[dreg:$0xf] =	wrdreg s3  }
0x16: {  	s0 =	rddreg [dreg:$0x5];
	s2 =	simm.s32 $0xDCF0  }
0x17: {  	[tilespmem:s2], [sflag:$0x3] =	stream.linear.gather [hbm4b:s0+s26], $0x10, $0x38;
	[tilespmem:$0xE858] =	vst v63  }
0x18: {  	_ =	swait.ge [sflag:s19], $0x10  }
0x19: {  	[sflag:s19] =	ssyncset.done $0x0  }
0x1a: {  	s7 =	simm.s32 $0x0;
	s0 =	simm.s32 $0x40;
	[sflag:s19] =	ssyncadd.s32 $0xFFFFFFF0  }
.LBB2_2:
0x1b: {  	p1 =	sne.s32 s0, $0x1F00;
	[tilespmem:s7+$0xDD00] =	vst v1;
	s7 =	smov.u32 s0;
	s0 =	sadd.s32 $0x40, s0  }
.Ltmp0:
0x1c: {  	(pc) =	sbr.rel @p1 .LBB2_2-.Ltmp0, $2  }
0x1d: {  	_ =	sdelay $0x2  }
0x1e: {  	s7 =	sshra.s32 s7, $0x2  }
0x1f: {  	[tilespmem:s7+$0xDD00] =	vst v1;
	s0 =	simm.s32 @!p0 $0xDD00;
	s7 =	simm.s32 @!p0 $0x3  }
0x20: {  	[spmem:s22] =	stream.linear.scatter @!p0 [tilespmem:s0], [sflag:$0x3], $0x7D0, $0x38;
	[tilespmem:$0xE858] =	vst v63  }
0x21: {  	_ =	swait.ge @!p0 [sflag:s7], $0x7D0  }
0x22: {  	[sflag:s7] =	ssyncset.done @!p0 $0x0  }
0x23: {  	s2 =	rddreg [dreg:$0x6];
	[sflag:s7] =	ssyncadd.s32 @!p0 $0xFFFFF830  }
0x24: {  	[spmem:s2] =	stream.linear.scatter @!p0 [tilespmem:s0], [sflag:$0x3], $0x7D0, $0x38;
	[tilespmem:$0xE858] =	vst v63  }
0x25: {  	_ =	swait.ge @!p0 [sflag:s7], $0x7D0  }
0x26: {  	[sflag:s7] =	ssyncset.done @!p0 $0x0  }
0x27: {  	s2 =	rddreg [dreg:$0x7];
	[sflag:s7] =	ssyncadd.s32 @!p0 $0xFFFFF830  }
0x28: {  	[spmem:s2] =	stream.linear.scatter @!p0 [tilespmem:s0], [sflag:$0x3], $0x7D0, $0x38;
	[tilespmem:$0xE858] =	vst v63  }
0x29: {  	_ =	swait.ge @!p0 [sflag:s7], $0x7D0  }
0x2a: {  	[sflag:s7] =	ssyncset.done @!p0 $0x0  }
0x2b: {  	s2 =	rddreg [dreg:$0x8];
	[sflag:s7] =	ssyncadd.s32 @!p0 $0xFFFFF830  }
0x2c: {  	[spmem:s2] =	stream.linear.scatter @!p0 [tilespmem:s0], [sflag:$0x3], $0x7D0, $0x38;
	[tilespmem:$0xE858] =	vst v63  }
0x2d: {  	_ =	swait.ge @!p0 [sflag:s7], $0x7D0  }
0x2e: {  	[sflag:s7] =	ssyncset.done @!p0 $0x0  }
0x2f: {  	s2 =	rddreg [dreg:$0x9];
	[sflag:s7] =	ssyncadd.s32 @!p0 $0xFFFFF830  }
0x30: {  	[spmem:s2] =	stream.linear.scatter @!p0 [tilespmem:s0], [sflag:$0x3], $0x7D0, $0x38;
	[tilespmem:$0xE858] =	vst v63  }
0x31: {  	_ =	swait.ge @!p0 [sflag:s7], $0x7D0  }
0x32: {  	[sflag:s7] =	ssyncset.done @!p0 $0x0  }
0x33: {  	[sflag:s7] =	ssyncadd.s32 @!p0 $0xFFFFF830  }
0x34: {  	[bflag:$0x0] =	sbarrier.arrive $0xFFFF  }
0x35: {  	s9 =	simm.s32 $0x0;
	s15 =	rddreg [dreg:$0xa]  }
0x36: {  	v25 =	vld [tilespmem:$0xDCF0];
	[tilespmem:s9], [sflag:$0x3] =	stream.linear.gather [hbm4b:s15+s9], $0x1400, $0x38  }
0x37: {  	_ =	swait.ge [sflag:s19], $0x1400  }
0x38: {  	[sflag:s19] =	ssyncset.done $0x0  }
0x39: {  	s3 =	simm.s32 $0x1400;
	s16 =	rddreg [dreg:$0xb];
	[sflag:s19] =	ssyncadd.s32 $0xFFFFEC00  }
0x3a: {  	[tilespmem:s3], [sflag:$0x3] =	stream.linear.gather [hbm4b:s16+s9], $0x1400, $0x38;
	[tilespmem:$0xE858] =	vst v63  }
0x3b: {  	_ =	swait.ge [sflag:s19], $0x1400  }
0x3c: {  	[sflag:s19] =	ssyncset.done $0x0  }
0x3d: {  	s20 =	simm.s32 $0x2800;
	s17 =	rddreg [dreg:$0xc];
	[sflag:s19] =	ssyncadd.s32 $0xFFFFEC00  }
0x3e: {  	[tilespmem:s20], [sflag:$0x3] =	stream.linear.gather [hbm4b:s17+s9], $0x1400, $0x38;
	[tilespmem:$0xE858] =	vst v63  }
0x3f: {  	_ =	swait.ge [sflag:s19], $0x1400  }
0x40: {  	[sflag:s19] =	ssyncset.done $0x0  }
0x41: {  	s26 =	simm.s32 $0x3C00;
	[sflag:s19] =	ssyncadd.s32 $0xFFFFEC00  }
0x42: {  	[tilespmem:s26], [sflag:$0x1] =	stream.linear.gather [hbm4b:s16+s9], $0x50, $0x38;
	[tilespmem:$0xE858] =	vst v63  }
0x43: {  	_ = 	snop  }
0x44: {  	[tilespmem:s24], [sflag:$0x1] =	stream.indirect.gather [hbm4b:s21+s23], $0x80, s9, s23, $0xb8;
	[tilespmem:$0xE858] =	vst v63  }
0x45: {  	s9 =	simm.s32 $0x0  }
0x46: {  	[tilespmem:s25], [sflag:$0x1] =	stream.indirect.gather [hbm4b:s5+s23], $0x80, s3, s23, $0xb8;
	[tilespmem:$0xE858] =	vst v63  }
.LBB2_4:
0x47: {  	s13 =	smul.u32 $0xA0, s9;
	_ =	sdelay $0x1  }
0x48: {  	s12 =	sadd.s32 $0x50, s13  }
0x49: {  	s11 =	sadd.s32 s4, s12  }
0x4a: {  	s10 =	sshrl.u32 s11, $0x3  }
0x4b: {  	s2 =	simm.s32 $0x0;
	s0 =	sadd.s32 s6, s10  }
0x4c: {  	[tilespmem:s14], [sflag:$0x2] =	stream.linear.gather [hbm4b:s0+s2], $0x50, $0x38;
	[tilespmem:$0xE858] =	vst v63  }
0x4d: {  	_ = 	snop  }
0x4e: {  	[tilespmem:s28], [sflag:$0x2] =	stream.indirect.gather [hbm4b:s21+s23], $0x80, s12, s23, $0xb8;
	[tilespmem:$0xE858] =	vst v63  }
0x4f: {  	s2 =	smov.u32 s21;
	s21 =	sadd.s32 $0x1450, s13  }
0x50: {  	[tilespmem:s29], [sflag:$0x2] =	stream.indirect.gather [hbm4b:s5+s23], $0x80, s21, s23, $0xb8;
	[tilespmem:$0xE858] =	vst v63  }
0x51: {  	_ =	swait.ge [sflag:s30], $0x50  }
0x52: {  	[sflag:s30] =	ssyncset.done $0x0  }
0x53: {  	[sflag:s30] =	ssyncadd.s32 $0xFFFFFFB0  }
0x54: {  	_ =	swait.ge [sflag:s30], $0x2800  }
0x55: {  	[sflag:s30] =	ssyncset.done $0x0  }
0x56: {  	[sflag:s30] =	ssyncadd.s32 $0xFFFFD800  }
0x57: {  	s26 =	smov.u32 s22;
	_ =	swait.ge [sflag:s30], $0x2800  }
0x58: {  	s15 =	simm.s32 $0x0;
	s22 =	sadd.s32 $0x2800, s13;
	[sflag:s30] =	ssyncset.done $0x0  }
0x59: {  	s16 =	simm.s32 $0x0;
	s20 =	sadd.s32 s4, s13;
	v26 =	vmov s22;
	[sflag:s30] =	ssyncadd.s32 $0xFFFFD800  }
.LBB2_5:
0x5a: {  	s0 =	sshll.u32 s15, $0x7  }
0x5b: {  	v27 =	vor.u32 s0, v0;
	_ =	sdelay $0x3  }
0x5c: {  	v28 =	vor.u32 s0, v2  }
0x5d: {  	v29 =	vld.idx.msk [tilespmem:v27+s25+$0x0], $0xffff  }
0x5e: {  	v27 =	vld.idx.msk [tilespmem:v27+s24+$0x0], $0xffff;
	_ =	sdelay $0x1  }
0x5f: {  	v30 =	vor.u32 s0, v3  }
0x60: {  	v31 =	vld.idx.msk [tilespmem:v28+s25+$0x0], $0xffff  }
0x61: {  	v28 =	vld.idx.msk [tilespmem:v28+s24+$0x0], $0xffff  }
0x62: {  	v27 =	vmul.bf16 v29, v27  }
0x63: {  	v29 =	vor.u32 s0, v4  }
0x64: {  	v32 =	vld.idx.msk [tilespmem:v30+s25+$0x0], $0xffff;
	v33 =	vunpack.i.l.bf16.f32 v27  }
0x65: {  	v30 =	vld.idx.msk [tilespmem:v30+s24+$0x0], $0xffff;
	v33 =	vadd.f32 $0.0e+00, v33  }
0x66: {  	v28 =	vmul.bf16 v31, v28;
	v27 =	vunpack.i.u.bf16.f32 v27  }
0x67: {  	v31 =	vor.u32 s0, v5;
	v27 =	vadd.f32 v33, v27  }
0x68: {  	v34 =	vunpack.i.l.bf16.f32 v28;
	v58 =	vld.idx.msk [tilespmem:v29+s25+$0x0], $0xffff  }
0x69: {  	v29 =	vld.idx.msk [tilespmem:v29+s24+$0x0], $0xffff;
	v27 =	vadd.f32 v34, v27  }
0x6a: {  	v30 =	vmul.bf16 v32, v30;
	v28 =	vunpack.i.u.bf16.f32 v28  }
0x6b: {  	v59 =	vor.u32 s0, v7;
	v27 =	vadd.f32 v27, v28  }
0x6c: {  	v60 =	vunpack.i.l.bf16.f32 v30;
	v28 =	vld.idx.msk [tilespmem:v31+s25+$0x0], $0xffff  }
0x6d: {  	v31 =	vld.idx.msk [tilespmem:v31+s24+$0x0], $0xffff;
	v27 =	vadd.f32 v60, v27  }
0x6e: {  	v30 =	vunpack.i.u.bf16.f32 v30;
	v29 =	vmul.bf16 v58, v29  }
0x6f: {  	v61 =	vor.u32 s0, v8;
	v27 =	vadd.f32 v27, v30  }
0x70: {  	v32 =	vld.idx.msk [tilespmem:v59+s24+$0x0], $0xffff;
	v62 =	vunpack.i.l.bf16.f32 v29  }
0x71: {  	v30 =	vld.idx.msk [tilespmem:v59+s25+$0x0], $0xffff;
	v27 =	vadd.f32 v62, v27  }
0x72: {  	v29 =	vunpack.i.u.bf16.f32 v29;
	v28 =	vmul.bf16 v28, v31  }
0x73: {  	v31 =	vor.u32 s0, v9;
	v27 =	vadd.f32 v27, v29  }
0x74: {  	v33 =	vld.idx.msk [tilespmem:v61+s24+$0x0], $0xffff;
	v63 =	vunpack.i.l.bf16.f32 v28  }
0x75: {  	v29 =	vld.idx.msk [tilespmem:v61+s25+$0x0], $0xffff;
	v27 =	vadd.f32 v63, v27  }
0x76: {  	v28 =	vunpack.i.u.bf16.f32 v28;
	v30 =	vmul.bf16 v30, v32  }
0x77: {  	v27 =	vadd.f32 v27, v28  }
0x78: {  	v32 =	vunpack.i.l.bf16.f32 v30;
	v28 =	vld.idx.msk [tilespmem:v31+s25+$0x0], $0xffff  }
0x79: {  	v31 =	vld.idx.msk [tilespmem:v31+s24+$0x0], $0xffff;
	v27 =	vadd.f32 v32, v27  }
0x7a: {  	v30 =	vunpack.i.u.bf16.f32 v30;
	v29 =	vmul.bf16 v29, v33  }
0x7b: {  	v27 =	vadd.f32 v27, v30  }
0x7c: {  	v30 =	vunpack.i.l.bf16.f32 v29  }
0x7d: {  	v27 =	vadd.f32 v30, v27  }
0x7e: {  	v29 =	vunpack.i.u.bf16.f32 v29;
	v28 =	vmul.bf16 v28, v31  }
0x7f: {  	s22 =	sadd.s32 $0x1, s15;
	v29 =	vadd.f32 v27, v29  }
0x80: {  	s17 =	sshll.u32 s16, $0x4;
	s21 =	sshll.u32 s22, $0x7;
	v30 =	vunpack.i.l.bf16.f32 v28  }
0x81: {  	s7 =	simm.s32 $0x0;
	s14 =	simm.s32 $0x44;
	s0 =	simm.s32 $0x88;
	v27 =	vor.u32 s21, v0;
	v29 =	vadd.f32 v30, v29  }
.LBB2_6:
0x82: {  	p1 =	sne.s32 s0, $0x3FC;
	v28 =	vunpack.i.u.bf16.f32 v28  }
0x83: {  	v28 =	vadd.f32 v29, v28  }
0x84: {  	s3 =	sshra.s32 s7, $0x2;
	s7 =	smov.u32 s14;
	s14 =	smov.u32 s0  }
0x85: {  	v29 =	vor.u32 s21, v2;
	[tilespmem:s3+$0xE4D0] =	vst v28  }
0x86: {  	v28 =	vld.idx.msk [tilespmem:v27+s25+$0x0], $0xffff  }
0x87: {  	v27 =	vld.idx.msk [tilespmem:v27+s24+$0x0], $0xffff;
	_ =	sdelay $0x1  }
0x88: {  	v30 =	vor.u32 s21, v3  }
0x89: {  	v31 =	vld.idx.msk [tilespmem:v29+s25+$0x0], $0xffff  }
0x8a: {  	v29 =	vld.idx.msk [tilespmem:v29+s24+$0x0], $0xffff;
	_ =	sdelay $0x1  }
0x8b: {  	v27 =	vmul.bf16 v28, v27;
	v28 =	vor.u32 s21, v4  }
0x8c: {  	v32 =	vld.idx.msk [tilespmem:v30+s25+$0x0], $0xffff  }
0x8d: {  	v33 =	vunpack.i.l.bf16.f32 v27;
	v30 =	vld.idx.msk [tilespmem:v30+s24+$0x0], $0xffff  }
0x8e: {  	v33 =	vadd.f32 $0.0e+00, v33  }
0x8f: {  	v27 =	vunpack.i.u.bf16.f32 v27;
	v29 =	vmul.bf16 v31, v29;
	v31 =	vor.u32 s21, v5  }
0x90: {  	v27 =	vadd.f32 v33, v27;
	v33 =	vld.idx.msk [tilespmem:v28+s25+$0x0], $0xffff  }
0x91: {  	v34 =	vunpack.i.l.bf16.f32 v29;
	v28 =	vld.idx.msk [tilespmem:v28+s24+$0x0], $0xffff  }
0x92: {  	v27 =	vadd.f32 v34, v27  }
0x93: {  	v29 =	vunpack.i.u.bf16.f32 v29;
	v30 =	vmul.bf16 v32, v30;
	v32 =	vor.u32 s21, v7  }
0x94: {  	v27 =	vadd.f32 v27, v29;
	v29 =	vld.idx.msk [tilespmem:v31+s25+$0x0], $0xffff  }
0x95: {  	v34 =	vunpack.i.l.bf16.f32 v30;
	v31 =	vld.idx.msk [tilespmem:v31+s24+$0x0], $0xffff  }
0x96: {  	v27 =	vadd.f32 v34, v27  }
0x97: {  	v30 =	vunpack.i.u.bf16.f32 v30;
	v28 =	vmul.bf16 v33, v28;
	v33 =	vor.u32 s21, v8  }
0x98: {  	v27 =	vadd.f32 v27, v30;
	v30 =	vld.idx.msk [tilespmem:v32+s25+$0x0], $0xffff  }
0x99: {  	v34 =	vunpack.i.l.bf16.f32 v28;
	v32 =	vld.idx.msk [tilespmem:v32+s24+$0x0], $0xffff  }
0x9a: {  	v27 =	vadd.f32 v34, v27  }
0x9b: {  	v28 =	vunpack.i.u.bf16.f32 v28;
	v29 =	vmul.bf16 v29, v31;
	v31 =	vor.u32 s21, v9  }
0x9c: {  	v27 =	vadd.f32 v27, v28;
	v28 =	vld.idx.msk [tilespmem:v33+s25+$0x0], $0xffff  }
0x9d: {  	v34 =	vunpack.i.l.bf16.f32 v29;
	v33 =	vld.idx.msk [tilespmem:v33+s24+$0x0], $0xffff  }
0x9e: {  	v27 =	vadd.f32 v34, v27  }
0x9f: {  	v29 =	vunpack.i.u.bf16.f32 v29;
	v30 =	vmul.bf16 v30, v32  }
0xa0: {  	v27 =	vadd.f32 v27, v29;
	v29 =	vld.idx.msk [tilespmem:v31+s25+$0x0], $0xffff  }
0xa1: {  	v32 =	vunpack.i.l.bf16.f32 v30;
	v31 =	vld.idx.msk [tilespmem:v31+s24+$0x0], $0xffff  }
0xa2: {  	v27 =	vadd.f32 v32, v27  }
0xa3: {  	v30 =	vunpack.i.u.bf16.f32 v30;
	v28 =	vmul.bf16 v28, v33  }
0xa4: {  	v27 =	vadd.f32 v27, v30  }
0xa5: {  	v30 =	vunpack.i.l.bf16.f32 v28  }
.Ltmp1:
0xa6: {  	v27 =	vadd.f32 v30, v27;
	(pc) =	sbr.rel @p1 .LBB2_6-.Ltmp1, $4  }
0xa7: {  	v30 =	vunpack.i.u.bf16.f32 v28;
	v28 =	vmul.bf16 v29, v31  }
0xa8: {  	s22 =	sadd.s32 $0x1, s22;
	v29 =	vadd.f32 v27, v30  }
0xa9: {  	s21 =	sshll.u32 s22, $0x7;
	v30 =	vunpack.i.l.bf16.f32 v28  }
0xaa: {  	s0 =	sadd.s32 $0x44, s0;
	v27 =	vor.u32 s21, v0;
	v29 =	vadd.f32 v30, v29  }
0xab: {  	v28 =	vunpack.i.u.bf16.f32 v28  }
0xac: {  	v28 =	vadd.f32 v29, v28  }
0xad: {  	s0 =	sshra.s32 s7, $0x2  }
0xae: {  	v58 =	vor.u32 s21, v2;
	[tilespmem:s0+$0xE4D0] =	vst v28  }
0xaf: {  	v28 =	vld.idx.msk [tilespmem:v27+s25+$0x0], $0xffff  }
0xb0: {  	v27 =	vld.idx.msk [tilespmem:v27+s24+$0x0], $0xffff;
	_ =	sdelay $0x1  }
0xb1: {  	v30 =	vor.u32 s21, v3  }
0xb2: {  	v31 =	vld.idx.msk [tilespmem:v58+s25+$0x0], $0xffff  }
0xb3: {  	v29 =	vld.idx.msk [tilespmem:v58+s24+$0x0], $0xffff  }
0xb4: {  	v27 =	vmul.bf16 v28, v27  }
0xb5: {  	v59 =	vor.u32 s21, v4  }
0xb6: {  	v32 =	vld.idx.msk [tilespmem:v30+s25+$0x0], $0xffff;
	v33 =	vunpack.i.l.bf16.f32 v27  }
0xb7: {  	v30 =	vld.idx.msk [tilespmem:v30+s24+$0x0], $0xffff;
	v33 =	vadd.f32 $0.0e+00, v33  }
0xb8: {  	v29 =	vmul.bf16 v31, v29;
	v27 =	vunpack.i.u.bf16.f32 v27  }
0xb9: {  	v60 =	vor.u32 s21, v5;
	v27 =	vadd.f32 v33, v27  }
0xba: {  	v61 =	vld.idx.msk [tilespmem:v59+s25+$0x0], $0xffff;
	v34 =	vunpack.i.l.bf16.f32 v29  }
0xbb: {  	v28 =	vld.idx.msk [tilespmem:v59+s24+$0x0], $0xffff;
	v27 =	vadd.f32 v34, v27  }
0xbc: {  	v30 =	vmul.bf16 v32, v30;
	v29 =	vunpack.i.u.bf16.f32 v29  }
0xbd: {  	v62 =	vor.u32 s21, v7;
	v27 =	vadd.f32 v27, v29  }
0xbe: {  	v63 =	vld.idx.msk [tilespmem:v60+s25+$0x0], $0xffff;
	v36 =	vunpack.i.l.bf16.f32 v30  }
0xbf: {  	v31 =	vld.idx.msk [tilespmem:v60+s24+$0x0], $0xffff;
	v27 =	vadd.f32 v36, v27  }
0xc0: {  	v30 =	vunpack.i.u.bf16.f32 v30;
	v28 =	vmul.bf16 v61, v28  }
0xc1: {  	v37 =	vor.u32 s21, v8;
	v27 =	vadd.f32 v27, v30  }
0xc2: {  	v38 =	vld.idx.msk [tilespmem:v62+s25+$0x0], $0xffff;
	v39 =	vunpack.i.l.bf16.f32 v28  }
0xc3: {  	v32 =	vld.idx.msk [tilespmem:v62+s24+$0x0], $0xffff;
	v27 =	vadd.f32 v39, v27  }
0xc4: {  	v28 =	vunpack.i.u.bf16.f32 v28;
	v29 =	vmul.bf16 v63, v31  }
0xc5: {  	v40 =	vor.u32 s21, v9;
	v27 =	vadd.f32 v27, v28  }
0xc6: {  	v41 =	vld.idx.msk [tilespmem:v37+s25+$0x0], $0xffff;
	v42 =	vunpack.i.l.bf16.f32 v29  }
0xc7: {  	v33 =	vld.idx.msk [tilespmem:v37+s24+$0x0], $0xffff;
	v27 =	vadd.f32 v42, v27  }
0xc8: {  	v29 =	vunpack.i.u.bf16.f32 v29;
	v30 =	vmul.bf16 v38, v32  }
0xc9: {  	v27 =	vadd.f32 v27, v29  }
0xca: {  	v43 =	vld.idx.msk [tilespmem:v40+s25+$0x0], $0xffff;
	v32 =	vunpack.i.l.bf16.f32 v30  }
0xcb: {  	v31 =	vld.idx.msk [tilespmem:v40+s24+$0x0], $0xffff;
	v27 =	vadd.f32 v32, v27  }
0xcc: {  	v30 =	vunpack.i.u.bf16.f32 v30;
	v28 =	vmul.bf16 v41, v33  }
0xcd: {  	v27 =	vadd.f32 v27, v30  }
0xce: {  	v44 =	vunpack.i.l.bf16.f32 v28  }
0xcf: {  	v27 =	vadd.f32 v44, v27  }
0xd0: {  	v28 =	vunpack.i.u.bf16.f32 v28;
	v29 =	vmul.bf16 v43, v31  }
0xd1: {  	v27 =	vadd.f32 v27, v28  }
0xd2: {  	v45 =	vunpack.i.l.bf16.f32 v29  }
0xd3: {  	v27 =	vadd.f32 v45, v27  }
0xd4: {  	v46 =	vunpack.i.u.bf16.f32 v29  }
0xd5: {  	v27 =	vadd.f32 v27, v46  }
0xd6: {  	s21 =	sshra.s32 s14, $0x2  }
0xd7: {  	[tilespmem:s21+$0xE4D0] =	vst v27  }
0xd8: {  	v27 =	vld.idx.msk [tilespmem:v6+s31+$0x0], $0xffff;
	_ =	sdelay $0x1  }
0xd9: {  	v47 =	vld.idx.msk [tilespmem:v10+s31+$0x0], $0xffff;
	_ =	sdelay $0x1  }
0xda: {  	v48 =	vld.idx.msk [tilespmem:v11+s31+$0x0], $0xffff  }
0xdb: {  	v27 =	vadd.f32 $0.0e+00, v27  }
0xdc: {  	v49 =	vld.idx.msk [tilespmem:v12+s31+$0x0], $0xffff  }
0xdd: {  	v27 =	vadd.f32 v47, v27  }
0xde: {  	v50 =	vld.idx.msk [tilespmem:v13+s31+$0x0], $0xffff  }
0xdf: {  	v27 =	vadd.f32 v48, v27  }
0xe0: {  	v51 =	vld.idx.msk [tilespmem:v14+s31+$0x0], $0xffff  }
0xe1: {  	v27 =	vadd.f32 v49, v27  }
0xe2: {  	v52 =	vld.idx.msk [tilespmem:v15+s31+$0x0], $0xffff  }
0xe3: {  	v27 =	vadd.f32 v50, v27  }
0xe4: {  	v53 =	vld.idx.msk [tilespmem:v16+s31+$0x0], $0xffff  }
0xe5: {  	v27 =	vadd.f32 v51, v27  }
0xe6: {  	v54 =	vld.idx.msk [tilespmem:v17+s31+$0x0], $0xffff  }
0xe7: {  	v27 =	vadd.f32 v52, v27  }
0xe8: {  	v55 =	vld.idx.msk [tilespmem:v18+s31+$0x0], $0xffff  }
0xe9: {  	v27 =	vadd.f32 v53, v27  }
0xea: {  	v56 =	vld.idx.msk [tilespmem:v19+s31+$0x0], $0xffff  }
0xeb: {  	v27 =	vadd.f32 v54, v27  }
0xec: {  	v57 =	vld.idx.msk [tilespmem:v20+s31+$0x0], $0xffff  }
0xed: {  	v27 =	vadd.f32 v55, v27  }
0xee: {  	v58 =	vld.idx.msk [tilespmem:v21+s31+$0x0], $0xffff  }
0xef: {  	v27 =	vadd.f32 v56, v27  }
0xf0: {  	v59 =	vld.idx.msk [tilespmem:v22+s31+$0x0], $0xffff  }
0xf1: {  	v60 =	vld.idx.msk [tilespmem:v23+s31+$0x0], $0xffff;
	v27 =	vadd.f32 v57, v27  }
0xf2: {  	v61 =	vld.idx.msk [tilespmem:v26+s17+$0x0 ss:$0x1], $0xffff  }
0xf3: {  	v27 =	vadd.f32 v58, v27  }
0xf4: {  	v62 =	vld.idx.msk [tilespmem:v24+s31+$0x0], $0xffff  }
0xf5: {  	v27 =	vadd.f32 v59, v27;
	_ =	sdelay $0x1  }
0xf6: {  	v63 =	vadd.f32 $1.000000000e+00, v61;
	v27 =	vadd.f32 v60, v27;
	_ =	sdelay $0x1  }
0xf7: {  	v28 =	vmul.f32 v63, v25;
	v27 =	vadd.f32 v62, v27;
	_ =	sdelay $0x1  }
0xf8: {  	v28 =	vmul.f32 $5.000000000e-01, v28;
	v27 =	vmul.f32 $1.250000000e-01, v27;
	_ =	sdelay $0x1  }
0xf9: {  	v27 =	vadd.f32 v28, v27;
	_ =	sdelay $0x1  }
0xfa: {  	v27 =	vmul.f32 $1.442695020e+00, v27;
	_ =	sdelay $0x1  }
0xfb: {  	(erf) = vpow2.f32 v27;
	_ =	sdelay $0x7  }
0xfc: {  	s22 =	sadd.s32 s20, s17  }
0xfd: {  	s16 =	sadd.s32 $0x1, s16;
	p1 =	slt.u32 s22, $0x27100;
	v27 =	vpop (erf)  }
0xfe: {  	v27 =	vpsel !p1, $0x0, v27;
	p1 =	sne.s32 s16, $0x5  }
.Ltmp2:
0xff: {  	_ = 	snop;
	(pc) =	sbr.rel @p1 .LBB2_5-.Ltmp2, $2  }
0x100: {  	_ =	sdelay $0x2  }
0x101: {  	s15 =	sadd.s32 $0x10, s15;
	[tilespmem:s17+$0x3CA0] =	vst v27  }
0x102: {  	s0 =	simm.s32 $0x3C00  }
0x103: {  	[spmem:s26] =	stream.indirect.scatter.add.f32 [tilespmem:s1], [sflag:$0x3], $0x1, s0, s23, $0xb8;
	[tilespmem:$0xE858] =	vst v63  }
0x104: {  	s22 =	smov.u32 s26;
	_ =	swait.ge [sflag:s19], $0x50  }
0x105: {  	s17 =	sshrl.u32 s20, $0x3;
	p1 =	seq.s32 s9, $0x1F;
	[sflag:s19] =	ssyncset.done $0x0  }
0x106: {  	s0 =	sadd.s32 s8, s17;
	s26 =	simm.s32 $0x0;
	[sflag:s19] =	ssyncadd.s32 $0xFFFFFFB0  }
0x107: {  	[hbm4b:s0+s26] =	stream.linear.scatter [tilespmem:s1], [sflag:$0x3], $0x50, $0x38;
	[tilespmem:$0xE858] =	vst v63  }
0x108: {  	s0 =	sadd.s32 @!p1 $0xA0, s13  }
0x109: {  	_ =	swait.ge [sflag:s19], $0x50;
	s3 =	sadd.s32 @!p1 s4, s0  }
0x10a: {  	s7 =	simm.s32 @!p1 $0x0;
	[sflag:s19] =	ssyncset.done $0x0;
	s3 =	sshrl.u32 @!p1 s3, $0x3  }
0x10b: {  	s14 =	simm.s32 @!p1 $0x3C00;
	[sflag:s19] =	ssyncadd.s32 $0xFFFFFFB0;
	s3 =	sadd.s32 @!p1 s6, s3  }
0x10c: {  	[tilespmem:s14], [sflag:$0x1] =	stream.linear.gather @!p1 [hbm4b:s3+s7], $0x50, $0x38;
	[tilespmem:$0xE858] =	vst v63  }
0x10d: {  	s3 =	simm.s32 @!p1 $0x50;
	s7 =	simm.s32 @!p1 $0x3CF0  }
0x10e: {  	[tilespmem:s7], [sflag:$0x1] =	stream.indirect.gather @!p1 [hbm4b:s2+s3], $0x80, s0, s3, $0xb8;
	[tilespmem:$0xE858] =	vst v63  }
0x10f: {  	s0 =	sadd.s32 @!p1 $0x14A0, s13;
	s7 =	simm.s32 @!p1 $0x8CF0  }
0x110: {  	[tilespmem:s7], [sflag:$0x1] =	stream.indirect.gather @!p1 [hbm4b:s5+s3], $0x80, s0, s3, $0xb8;
	[tilespmem:$0xE858] =	vst v63  }
0x111: {  	_ =	swait.ge [sflag:s18], $0x50  }
0x112: {  	[sflag:s18] =	ssyncset.done $0x0  }
0x113: {  	[sflag:s18] =	ssyncadd.s32 $0xFFFFFFB0  }
0x114: {  	_ =	swait.ge [sflag:s18], $0x2800  }
0x115: {  	[sflag:s18] =	ssyncset.done $0x0  }
0x116: {  	[sflag:s18] =	ssyncadd.s32 $0xFFFFD800  }
0x117: {  	_ =	swait.ge [sflag:s18], $0x2800  }
0x118: {  	s21 =	smov.u32 s2;
	s20 =	sadd.s32 $0x2800, s12;
	[sflag:s18] =	ssyncset.done $0x0  }
0x119: {  	s12 =	simm.s32 $0x0;
	v26 =	vmov s20;
	s13 =	simm.s32 $0x0;
	[sflag:s18] =	ssyncadd.s32 $0xFFFFD800  }
.LBB2_9:
0x11a: {  	s0 =	sshll.u32 s12, $0x7  }
0x11b: {  	v27 =	vor.u32 s0, v0;
	_ =	sdelay $0x3  }
0x11c: {  	v28 =	vor.u32 s0, v2  }
0x11d: {  	v29 =	vld.idx.msk [tilespmem:v27+s29+$0x0], $0xffff  }
0x11e: {  	v27 =	vld.idx.msk [tilespmem:v27+s28+$0x0], $0xffff;
	_ =	sdelay $0x1  }
0x11f: {  	v30 =	vor.u32 s0, v3  }
0x120: {  	v31 =	vld.idx.msk [tilespmem:v28+s29+$0x0], $0xffff  }
0x121: {  	v28 =	vld.idx.msk [tilespmem:v28+s28+$0x0], $0xffff  }
0x122: {  	v27 =	vmul.bf16 v29, v27  }
0x123: {  	v29 =	vor.u32 s0, v4  }
0x124: {  	v32 =	vld.idx.msk [tilespmem:v30+s29+$0x0], $0xffff;
	v33 =	vunpack.i.l.bf16.f32 v27  }
0x125: {  	v30 =	vld.idx.msk [tilespmem:v30+s28+$0x0], $0xffff;
	v33 =	vadd.f32 $0.0e+00, v33  }
0x126: {  	v28 =	vmul.bf16 v31, v28;
	v27 =	vunpack.i.u.bf16.f32 v27  }
0x127: {  	v31 =	vor.u32 s0, v5;
	v27 =	vadd.f32 v33, v27  }
0x128: {  	v34 =	vunpack.i.l.bf16.f32 v28;
	v58 =	vld.idx.msk [tilespmem:v29+s29+$0x0], $0xffff  }
0x129: {  	v29 =	vld.idx.msk [tilespmem:v29+s28+$0x0], $0xffff;
	v27 =	vadd.f32 v34, v27  }
0x12a: {  	v30 =	vmul.bf16 v32, v30;
	v28 =	vunpack.i.u.bf16.f32 v28  }
0x12b: {  	v59 =	vor.u32 s0, v7;
	v27 =	vadd.f32 v27, v28  }
0x12c: {  	v60 =	vunpack.i.l.bf16.f32 v30;
	v28 =	vld.idx.msk [tilespmem:v31+s29+$0x0], $0xffff  }
0x12d: {  	v31 =	vld.idx.msk [tilespmem:v31+s28+$0x0], $0xffff;
	v27 =	vadd.f32 v60, v27  }
0x12e: {  	v30 =	vunpack.i.u.bf16.f32 v30;
	v29 =	vmul.bf16 v58, v29  }
0x12f: {  	v61 =	vor.u32 s0, v8;
	v27 =	vadd.f32 v27, v30  }
0x130: {  	v32 =	vld.idx.msk [tilespmem:v59+s28+$0x0], $0xffff;
	v62 =	vunpack.i.l.bf16.f32 v29  }
0x131: {  	v30 =	vld.idx.msk [tilespmem:v59+s29+$0x0], $0xffff;
	v27 =	vadd.f32 v62, v27  }
0x132: {  	v29 =	vunpack.i.u.bf16.f32 v29;
	v28 =	vmul.bf16 v28, v31  }
0x133: {  	v31 =	vor.u32 s0, v9;
	v27 =	vadd.f32 v27, v29  }
0x134: {  	v33 =	vld.idx.msk [tilespmem:v61+s28+$0x0], $0xffff;
	v63 =	vunpack.i.l.bf16.f32 v28  }
0x135: {  	v29 =	vld.idx.msk [tilespmem:v61+s29+$0x0], $0xffff;
	v27 =	vadd.f32 v63, v27  }
0x136: {  	v28 =	vunpack.i.u.bf16.f32 v28;
	v30 =	vmul.bf16 v30, v32  }
0x137: {  	v27 =	vadd.f32 v27, v28  }
0x138: {  	v32 =	vunpack.i.l.bf16.f32 v30;
	v28 =	vld.idx.msk [tilespmem:v31+s29+$0x0], $0xffff  }
0x139: {  	v31 =	vld.idx.msk [tilespmem:v31+s28+$0x0], $0xffff;
	v27 =	vadd.f32 v32, v27  }
0x13a: {  	v30 =	vunpack.i.u.bf16.f32 v30;
	v29 =	vmul.bf16 v29, v33  }
0x13b: {  	v27 =	vadd.f32 v27, v30  }
0x13c: {  	v30 =	vunpack.i.l.bf16.f32 v29  }
0x13d: {  	v27 =	vadd.f32 v30, v27  }
0x13e: {  	v29 =	vunpack.i.u.bf16.f32 v29;
	v28 =	vmul.bf16 v28, v31  }
0x13f: {  	s17 =	sadd.s32 $0x1, s12;
	v29 =	vadd.f32 v27, v29  }
0x140: {  	s15 =	sshll.u32 s13, $0x4;
	s14 =	sshll.u32 s17, $0x7;
	v30 =	vunpack.i.l.bf16.f32 v28  }
0x141: {  	s16 =	simm.s32 $0x44;
	s20 =	simm.s32 $0x88;
	s7 =	simm.s32 $0x0;
	v27 =	vor.u32 s14, v0;
	v29 =	vadd.f32 v30, v29  }
.LBB2_10:
0x142: {  	p1 =	sne.s32 s20, $0x3FC;
	v28 =	vunpack.i.u.bf16.f32 v28  }
0x143: {  	v28 =	vadd.f32 v29, v28  }
0x144: {  	s0 =	sshra.s32 s7, $0x2;
	s7 =	smov.u32 s16;
	s16 =	smov.u32 s20  }
0x145: {  	v29 =	vor.u32 s14, v2;
	[tilespmem:s0+$0xE4D0] =	vst v28  }
0x146: {  	v28 =	vld.idx.msk [tilespmem:v27+s29+$0x0], $0xffff  }
0x147: {  	v27 =	vld.idx.msk [tilespmem:v27+s28+$0x0], $0xffff;
	_ =	sdelay $0x1  }
0x148: {  	v30 =	vor.u32 s14, v3  }
0x149: {  	v31 =	vld.idx.msk [tilespmem:v29+s29+$0x0], $0xffff  }
0x14a: {  	v29 =	vld.idx.msk [tilespmem:v29+s28+$0x0], $0xffff;
	_ =	sdelay $0x1  }
0x14b: {  	v27 =	vmul.bf16 v28, v27;
	v28 =	vor.u32 s14, v4  }
0x14c: {  	v32 =	vld.idx.msk [tilespmem:v30+s29+$0x0], $0xffff  }
0x14d: {  	v33 =	vunpack.i.l.bf16.f32 v27;
	v30 =	vld.idx.msk [tilespmem:v30+s28+$0x0], $0xffff  }
0x14e: {  	v33 =	vadd.f32 $0.0e+00, v33  }
0x14f: {  	v27 =	vunpack.i.u.bf16.f32 v27;
	v29 =	vmul.bf16 v31, v29;
	v31 =	vor.u32 s14, v5  }
0x150: {  	v27 =	vadd.f32 v33, v27;
	v33 =	vld.idx.msk [tilespmem:v28+s29+$0x0], $0xffff  }
0x151: {  	v34 =	vunpack.i.l.bf16.f32 v29;
	v28 =	vld.idx.msk [tilespmem:v28+s28+$0x0], $0xffff  }
0x152: {  	v27 =	vadd.f32 v34, v27  }
0x153: {  	v29 =	vunpack.i.u.bf16.f32 v29;
	v30 =	vmul.bf16 v32, v30;
	v32 =	vor.u32 s14, v7  }
0x154: {  	v27 =	vadd.f32 v27, v29;
	v29 =	vld.idx.msk [tilespmem:v31+s29+$0x0], $0xffff  }
0x155: {  	v34 =	vunpack.i.l.bf16.f32 v30;
	v31 =	vld.idx.msk [tilespmem:v31+s28+$0x0], $0xffff  }
0x156: {  	v27 =	vadd.f32 v34, v27  }
0x157: {  	v30 =	vunpack.i.u.bf16.f32 v30;
	v28 =	vmul.bf16 v33, v28;
	v33 =	vor.u32 s14, v8  }
0x158: {  	v27 =	vadd.f32 v27, v30;
	v30 =	vld.idx.msk [tilespmem:v32+s29+$0x0], $0xffff  }
0x159: {  	v34 =	vunpack.i.l.bf16.f32 v28;
	v32 =	vld.idx.msk [tilespmem:v32+s28+$0x0], $0xffff  }
0x15a: {  	v27 =	vadd.f32 v34, v27  }
0x15b: {  	v28 =	vunpack.i.u.bf16.f32 v28;
	v29 =	vmul.bf16 v29, v31;
	v31 =	vor.u32 s14, v9  }
0x15c: {  	v27 =	vadd.f32 v27, v28;
	v28 =	vld.idx.msk [tilespmem:v33+s29+$0x0], $0xffff  }
0x15d: {  	v34 =	vunpack.i.l.bf16.f32 v29;
	v33 =	vld.idx.msk [tilespmem:v33+s28+$0x0], $0xffff  }
0x15e: {  	v27 =	vadd.f32 v34, v27  }
0x15f: {  	v29 =	vunpack.i.u.bf16.f32 v29;
	v30 =	vmul.bf16 v30, v32  }
0x160: {  	v27 =	vadd.f32 v27, v29;
	v29 =	vld.idx.msk [tilespmem:v31+s29+$0x0], $0xffff  }
0x161: {  	v32 =	vunpack.i.l.bf16.f32 v30;
	v31 =	vld.idx.msk [tilespmem:v31+s28+$0x0], $0xffff  }
0x162: {  	v27 =	vadd.f32 v32, v27  }
0x163: {  	v30 =	vunpack.i.u.bf16.f32 v30;
	v28 =	vmul.bf16 v28, v33  }
0x164: {  	v27 =	vadd.f32 v27, v30  }
0x165: {  	v30 =	vunpack.i.l.bf16.f32 v28  }
.Ltmp3:
0x166: {  	v27 =	vadd.f32 v30, v27;
	(pc) =	sbr.rel @p1 .LBB2_10-.Ltmp3, $4  }
0x167: {  	v30 =	vunpack.i.u.bf16.f32 v28;
	v28 =	vmul.bf16 v29, v31  }
0x168: {  	s17 =	sadd.s32 $0x1, s17;
	v29 =	vadd.f32 v27, v30  }
0x169: {  	s14 =	sshll.u32 s17, $0x7;
	v30 =	vunpack.i.l.bf16.f32 v28  }
0x16a: {  	s20 =	sadd.s32 $0x44, s20;
	v27 =	vor.u32 s14, v0;
	v29 =	vadd.f32 v30, v29  }
0x16b: {  	v28 =	vunpack.i.u.bf16.f32 v28  }
0x16c: {  	v28 =	vadd.f32 v29, v28  }
0x16d: {  	s0 =	sshra.s32 s7, $0x2  }
0x16e: {  	v58 =	vor.u32 s14, v2;
	[tilespmem:s0+$0xE4D0] =	vst v28  }
0x16f: {  	v28 =	vld.idx.msk [tilespmem:v27+s29+$0x0], $0xffff  }
0x170: {  	v27 =	vld.idx.msk [tilespmem:v27+s28+$0x0], $0xffff;
	_ =	sdelay $0x1  }
0x171: {  	v30 =	vor.u32 s14, v3  }
0x172: {  	v31 =	vld.idx.msk [tilespmem:v58+s29+$0x0], $0xffff  }
0x173: {  	v29 =	vld.idx.msk [tilespmem:v58+s28+$0x0], $0xffff  }
0x174: {  	v27 =	vmul.bf16 v28, v27  }
0x175: {  	v59 =	vor.u32 s14, v4  }
0x176: {  	v32 =	vld.idx.msk [tilespmem:v30+s29+$0x0], $0xffff;
	v33 =	vunpack.i.l.bf16.f32 v27  }
0x177: {  	v30 =	vld.idx.msk [tilespmem:v30+s28+$0x0], $0xffff;
	v33 =	vadd.f32 $0.0e+00, v33  }
0x178: {  	v29 =	vmul.bf16 v31, v29;
	v27 =	vunpack.i.u.bf16.f32 v27  }
0x179: {  	v60 =	vor.u32 s14, v5;
	v27 =	vadd.f32 v33, v27  }
0x17a: {  	v61 =	vld.idx.msk [tilespmem:v59+s29+$0x0], $0xffff;
	v34 =	vunpack.i.l.bf16.f32 v29  }
0x17b: {  	v28 =	vld.idx.msk [tilespmem:v59+s28+$0x0], $0xffff;
	v27 =	vadd.f32 v34, v27  }
0x17c: {  	v30 =	vmul.bf16 v32, v30;
	v29 =	vunpack.i.u.bf16.f32 v29  }
0x17d: {  	v62 =	vor.u32 s14, v7;
	v27 =	vadd.f32 v27, v29  }
0x17e: {  	v63 =	vld.idx.msk [tilespmem:v60+s29+$0x0], $0xffff;
	v36 =	vunpack.i.l.bf16.f32 v30  }
0x17f: {  	v31 =	vld.idx.msk [tilespmem:v60+s28+$0x0], $0xffff;
	v27 =	vadd.f32 v36, v27  }
0x180: {  	v30 =	vunpack.i.u.bf16.f32 v30;
	v28 =	vmul.bf16 v61, v28  }
0x181: {  	v37 =	vor.u32 s14, v8;
	v27 =	vadd.f32 v27, v30  }
0x182: {  	v38 =	vld.idx.msk [tilespmem:v62+s29+$0x0], $0xffff;
	v39 =	vunpack.i.l.bf16.f32 v28  }
0x183: {  	v32 =	vld.idx.msk [tilespmem:v62+s28+$0x0], $0xffff;
	v27 =	vadd.f32 v39, v27  }
0x184: {  	v28 =	vunpack.i.u.bf16.f32 v28;
	v29 =	vmul.bf16 v63, v31  }
0x185: {  	v40 =	vor.u32 s14, v9;
	v27 =	vadd.f32 v27, v28  }
0x186: {  	v41 =	vld.idx.msk [tilespmem:v37+s29+$0x0], $0xffff;
	v42 =	vunpack.i.l.bf16.f32 v29  }
0x187: {  	v33 =	vld.idx.msk [tilespmem:v37+s28+$0x0], $0xffff;
	v27 =	vadd.f32 v42, v27  }
0x188: {  	v29 =	vunpack.i.u.bf16.f32 v29;
	v30 =	vmul.bf16 v38, v32  }
0x189: {  	v27 =	vadd.f32 v27, v29  }
0x18a: {  	v43 =	vld.idx.msk [tilespmem:v40+s29+$0x0], $0xffff;
	v32 =	vunpack.i.l.bf16.f32 v30  }
0x18b: {  	v31 =	vld.idx.msk [tilespmem:v40+s28+$0x0], $0xffff;
	v27 =	vadd.f32 v32, v27  }
0x18c: {  	v30 =	vunpack.i.u.bf16.f32 v30;
	v28 =	vmul.bf16 v41, v33  }
0x18d: {  	v27 =	vadd.f32 v27, v30  }
0x18e: {  	v44 =	vunpack.i.l.bf16.f32 v28  }
0x18f: {  	v27 =	vadd.f32 v44, v27  }
0x190: {  	v28 =	vunpack.i.u.bf16.f32 v28;
	v29 =	vmul.bf16 v43, v31  }
0x191: {  	v27 =	vadd.f32 v27, v28  }
0x192: {  	v45 =	vunpack.i.l.bf16.f32 v29  }
0x193: {  	v27 =	vadd.f32 v45, v27  }
0x194: {  	v46 =	vunpack.i.u.bf16.f32 v29  }
0x195: {  	v27 =	vadd.f32 v27, v46  }
0x196: {  	s17 =	sshra.s32 s16, $0x2  }
0x197: {  	[tilespmem:s17+$0xE4D0] =	vst v27  }
0x198: {  	v27 =	vld.idx.msk [tilespmem:v6+s31+$0x0], $0xffff;
	_ =	sdelay $0x1  }
0x199: {  	v47 =	vld.idx.msk [tilespmem:v10+s31+$0x0], $0xffff;
	_ =	sdelay $0x1  }
0x19a: {  	v48 =	vld.idx.msk [tilespmem:v11+s31+$0x0], $0xffff  }
0x19b: {  	v27 =	vadd.f32 $0.0e+00, v27  }
0x19c: {  	v49 =	vld.idx.msk [tilespmem:v12+s31+$0x0], $0xffff  }
0x19d: {  	v27 =	vadd.f32 v47, v27  }
0x19e: {  	v50 =	vld.idx.msk [tilespmem:v13+s31+$0x0], $0xffff  }
0x19f: {  	v27 =	vadd.f32 v48, v27  }
0x1a0: {  	v51 =	vld.idx.msk [tilespmem:v14+s31+$0x0], $0xffff  }
0x1a1: {  	v27 =	vadd.f32 v49, v27  }
0x1a2: {  	v52 =	vld.idx.msk [tilespmem:v15+s31+$0x0], $0xffff  }
0x1a3: {  	v27 =	vadd.f32 v50, v27  }
0x1a4: {  	v53 =	vld.idx.msk [tilespmem:v16+s31+$0x0], $0xffff  }
0x1a5: {  	v27 =	vadd.f32 v51, v27  }
0x1a6: {  	v54 =	vld.idx.msk [tilespmem:v17+s31+$0x0], $0xffff  }
0x1a7: {  	v27 =	vadd.f32 v52, v27  }
0x1a8: {  	v55 =	vld.idx.msk [tilespmem:v18+s31+$0x0], $0xffff  }
0x1a9: {  	v27 =	vadd.f32 v53, v27  }
0x1aa: {  	v56 =	vld.idx.msk [tilespmem:v19+s31+$0x0], $0xffff  }
0x1ab: {  	v27 =	vadd.f32 v54, v27  }
0x1ac: {  	v57 =	vld.idx.msk [tilespmem:v20+s31+$0x0], $0xffff  }
0x1ad: {  	v27 =	vadd.f32 v55, v27  }
0x1ae: {  	v58 =	vld.idx.msk [tilespmem:v21+s31+$0x0], $0xffff  }
0x1af: {  	v27 =	vadd.f32 v56, v27  }
0x1b0: {  	v59 =	vld.idx.msk [tilespmem:v22+s31+$0x0], $0xffff  }
0x1b1: {  	v60 =	vld.idx.msk [tilespmem:v23+s31+$0x0], $0xffff;
	v27 =	vadd.f32 v57, v27  }
0x1b2: {  	v61 =	vld.idx.msk [tilespmem:v26+s15+$0x0 ss:$0x1], $0xffff  }
0x1b3: {  	v27 =	vadd.f32 v58, v27  }
0x1b4: {  	v62 =	vld.idx.msk [tilespmem:v24+s31+$0x0], $0xffff  }
0x1b5: {  	v27 =	vadd.f32 v59, v27;
	_ =	sdelay $0x1  }
0x1b6: {  	v63 =	vadd.f32 $1.000000000e+00, v61;
	v27 =	vadd.f32 v60, v27;
	_ =	sdelay $0x1  }
0x1b7: {  	v28 =	vmul.f32 v63, v25;
	v27 =	vadd.f32 v62, v27;
	_ =	sdelay $0x1  }
0x1b8: {  	v28 =	vmul.f32 $5.000000000e-01, v28;
	v27 =	vmul.f32 $1.250000000e-01, v27;
	_ =	sdelay $0x1  }
0x1b9: {  	v27 =	vadd.f32 v28, v27;
	_ =	sdelay $0x1  }
0x1ba: {  	v27 =	vmul.f32 $1.442695020e+00, v27;
	_ =	sdelay $0x1  }
0x1bb: {  	(erf) = vpow2.f32 v27;
	_ =	sdelay $0x7  }
0x1bc: {  	s20 =	sadd.s32 s11, s15  }
0x1bd: {  	s13 =	sadd.s32 $0x1, s13;
	p1 =	slt.u32 s20, $0x27100;
	v27 =	vpop (erf)  }
0x1be: {  	v27 =	vpsel !p1, $0x0, v27;
	p1 =	sne.s32 s13, $0x5  }
.Ltmp4:
0x1bf: {  	_ = 	snop;
	(pc) =	sbr.rel @p1 .LBB2_9-.Ltmp4, $2  }
0x1c0: {  	_ =	sdelay $0x2  }
0x1c1: {  	s12 =	sadd.s32 $0x10, s12;
	[tilespmem:s15+$0x3CA0] =	vst v27  }
0x1c2: {  	s14 =	simm.s32 $0x3C50  }
0x1c3: {  	[spmem:s22] =	stream.indirect.scatter.add.f32 [tilespmem:s1], [sflag:$0x3], $0x1, s14, s23, $0xb8;
	[tilespmem:$0xE858] =	vst v63  }
0x1c4: {  	s9 =	sadd.s32 $0x1, s9;
	_ =	swait.ge [sflag:s19], $0x50  }
0x1c5: {  	p1 =	sne.s32 s9, $0x20;
	[sflag:s19] =	ssyncset.done $0x0  }
.Ltmp5:
0x1c6: {  	s0 =	sadd.s32 s8, s10;
	[sflag:s19] =	ssyncadd.s32 $0xFFFFFFB0;
	(pc) =	sbr.rel @p1 .LBB2_4-.Ltmp5, $4  }
0x1c7: {  	[hbm4b:s0+s26] =	stream.linear.scatter [tilespmem:s1], [sflag:$0x3], $0x50, $0x38;
	[tilespmem:$0xE858] =	vst v63  }
0x1c8: {  	_ =	swait.ge [sflag:s19], $0x50  }
0x1c9: {  	[sflag:s19] =	ssyncset.done $0x0  }
0x1ca: {  	[sflag:s19] =	ssyncadd.s32 $0xFFFFFFB0  }
0x1cb: {  	[bflag:$0x0] =	sbarrier.arrive $0xFFFF  }
0x1cc: {  	s0 =	sshrl.u32 @!p0 s22, $0x3;
	s3 =	simm.s32 @!p0 $0x1C03;
	s2 =	rddreg [dreg:$0xd]  }
0x1cd: {  	[hbm:s2], [sflag:s3] =	dma.local @!p0 [spmem:s0], $0x4E2  }
0x1ce: {  	s0 =	simm.s32 @!p0 $0x3  }
0x1cf: {  	_ =	swait.ge @!p0 [sflag:s0], $0x4E2  }
0x1d0: {  	s17 =	rddreg [dreg:$0xf]  }
0x1d1: {  	s20 =	rddreg [dreg:$0xe];
	s3 =	sadd.s32 $0x1, s17  }
0x1d2: {  	p1 =	sne.s32 s3, s20  }
.Ltmp6:
0x1d3: {  	_ = 	snop;
	(pc) =	sbr.rel @p1 .LBB2_1-.Ltmp6, $3  }
0x1d4: {  	_ =	sdelay $0x1  }
0x1d5: {  	[sflag:s0] =	ssyncset.done @!p0 $0x0  }
0x1d6: {  	[sflag:s0] =	ssyncadd.s32 @!p0 $0xFFFFFB1E  }
0x1d7: {  	_ =	sfence.sel $0x180000  }
0x1d8: {  	[bflag:$0x0] =	sbarrier.arrive $0xFFFF  }
0x1d9: {  	_ =	strace $0x90000047  }
0x1da: {  	[bflag:$0x2] =	sbarrier.arrive $0xFFFF  }
0x1db: {  	s0 =	rddreg [dreg:$0x4]  }
0x1dc: {  	s0 =	sadd.s32 @!p0 $0x100000, s0  }
0x1dd: {  	[sflag:s0] =	ssyncadd.tile.s32 @!p0 $0x1;
	_ =	shalt  }
.Lfunc_end2:
_tile_overlayer_lowered:
.L_overlay_start_2:
0x1de: {  	(tag) =	ssettag $0x2  }
0x1df: {  	s0 =	rddreg [dreg:$0x0];
	s2 =	stileid.u32  }
0x1e0: {  	s1 =	rddreg [dreg:$0x1];
	p0 =	sne.s32 s2, $0x0  }
0x1e1: {  	s3 =	rddreg [dreg:$0x2];
	[bflag:$0x3] =	sbarrier.arrive $0xFFFF;
	s2 =	simm.s32 @!p0 $0x1C03  }
0x1e2: {  	[timem:s3], [sflag:s2] =	dma.local @!p0 [hbm:s0], s1  }
0x1e3: {  	s0 =	simm.s32 @!p0 $0x3  }
0x1e4: {  	_ =	swait.ge @!p0 [sflag:s0], s1  }
0x1e5: {  	s1 =	ssub.s32 @!p0 $0x0, s1;
	[sflag:s0] =	ssyncset.done @!p0 $0x0  }
0x1e6: {  	[sflag:s0] =	ssyncadd.s32 @!p0 s1  }
0x1e7: {  	[bflag:$0x3] =	sbarrier.arrive $0xFFFF  }
0x1e8: {  	_ =	shalt  }

// kernel: kernel.9.cloned.1.call-start
scs
__scs_entry_jumppad:
0x0: {  	(pc) =	sbr.rel $0x88, $3  }
0x1: {  	(tag) =	ssettag $0x0;
	lr =	simm.s32 $0x1  }
0x2: {  	[smem:$0x3F95] =	sst lr;
	_ =	strace $0xD0000000  }
0x3: {  	_ = 	snop  }
0x4: {  	_ = 	snop  }
0x5: {  	_ = 	snop  }
0x6: {  	_ = 	snop  }
0x7: {  	_ = 	snop  }
__scs_overlays_trampoline_lowered:
0x8: {  	[smem:$0x3FA4] =	sst s0  }
0x9: {  	[smem:$0x3FA5] =	sst s1  }
0xa: {  	[smem:$0x3FA6] =	sst s2  }
0xb: {  	[smem:$0x3FA7] =	sst s3  }
0xc: {  	[smem:$0x3FA8] =	sst s4  }
0xd: {  	[smem:$0x3FA9] =	sst s5  }
0xe: {  	[smem:$0x3FAA] =	sst s6  }
0xf: {  	[smem:$0x3FAB] =	sst s7  }
0x10: {  	[smem:$0x3FAC] =	sst s8  }
0x11: {  	[smem:$0x3FAD] =	sst s9;
	s0 =	simm.s32 @!p0 $0x0  }
0x12: {  	s1 =	sld [smem:$0x3F93];
	s0 =	simm.s32 @p0 $0x1  }
0x13: {  	[smem:$0x3FAE] =	sst s0;
	s0 =	simm.s32 @!p1 $0x0  }
0x14: {  	s2 =	sld [smem:$0x3F92];
	s0 =	simm.s32 @p1 $0x1  }
0x15: {  	[smem:$0x3FAF] =	sst s0;
	s0 =	simm.s32 @!p2 $0x0  }
0x16: {  	s3 =	sld [smem:$0x3FDB];
	s0 =	simm.s32 @p2 $0x1  }
0x17: {  	s4 =	simm.s32 $0x1BF5;
	[smem:$0x3FB1] =	sst s0  }
0x18: {  	s0 =	sld [smem:$0x3F94];
	_ =	swait.ge [sflag:s4], $0x0  }
0x19: {  	s7 =	sld [smem:$0x3F95]  }
0x1a: {  	s8 =	sadd.s32 $0xFFFFE003, lr  }
0x1b: {  	s9 =	sadd.s32 $0xFFFFFEF7, lr;
	s5 =	simm.s32 $0xFFFFFFFF;
	p2 =	slt.u32 s8, $0xFFFFF086  }
0x1c: {  	p1 =	slt.u32 s9, $0xF7A;
	s5 =	simm.s32 @!p2 $0x0  }
0x1d: {  	s5 =	simm.s32 @p1 $0x1;
	p0 =	seq.s32 s7, s2  }
0x1e: {  	s7 =	smul.u32 @!p0 $0xF7A, s2;
	p2 =	seq.s32 @!p0 s5, $0x0  }
0x1f: {  	s9 =	smul.u32 $0xF7A, s1;
	s8 =	simm.s32 @!p0 $0x1BF5;
	p2 =	por !p2, p0  }
0x20: {  	[sflag:s8] =	ssyncset.s32 @!p0 $0xFFFFF086;
	s6 =	sadd.s32 @!p0 s3, s7;
	s7 =	simm.s32 @!p0 $0x108  }
0x21: {  	s3 =	sadd.s32 s3, s9;
	s6 =	sadd.s32 @!p0 $0x88, s6;
	s7 =	simm.s32 @p2 $0x1082  }
0x22: {  	[simem:s7], [sflag:s8] =	dma.local @!p0 [hbm:s6], $0xF7A  }
0x23: {  	s9 =	sor.u32 $0xD0000000, s2;
	s6 =	simm.s32 $0x108;
	_ =	swait.ge @!p0 [sflag:s8], $0x0  }
0x24: {  	s3 =	sadd.s32 $0x88, s3;
	s6 =	simm.s32 @!p1 $0x1082;
	[sflag:s4] =	ssyncset.s32 $0xFFFFF086  }
0x25: {  	[simem:s6], [sflag:s4] =	dma.local [hbm:s3], $0xF7A  }
0x26: {  	[smem:$0x3F95] =	sst s1;
	(tag) =	ssettag s2;
	_ =	strace s9  }
0x27: {  	s1 =	sld [smem:$0x3FA5]  }
0x28: {  	s2 =	sld [smem:$0x3FA6]  }
0x29: {  	s4 =	sld [smem:$0x3FA8]  }
0x2a: {  	p0 =	seq.s32 s5, $0x0;
	s5 =	sld [smem:$0x3FA9]  }
0x2b: {  	s6 =	sld [smem:$0x3FAA]  }
0x2c: {  	s7 =	sld [smem:$0x3FAB]  }
0x2d: {  	s3 =	simm.s32 $0x108;
	s8 =	sld [smem:$0x3FAC]  }
0x2e: {  	s3 =	simm.s32 @!p0 $0x1082;
	s9 =	sld [smem:$0x3FAD]  }
0x2f: {  	lr =	sadd.s32 s0, s3;
	s0 =	sld [smem:$0x3FA4]  }
0x30: {  	s3 =	sld [smem:$0x3FA7]  }
0x31: {  	[smem:$0x3FB0] =	sst s10  }
0x32: {  	s10 =	sld [smem:$0x3FAE];
	_ =	sdelay $0x3  }
0x33: {  	p0 =	seq.s32 s10, $0x1;
	s10 =	sld [smem:$0x3FB0];
	_ =	sdelay $0x3  }
0x34: {  	[smem:$0x3FB0] =	sst s10  }
0x35: {  	s10 =	sld [smem:$0x3FAF];
	_ =	sdelay $0x3  }
0x36: {  	p1 =	seq.s32 s10, $0x1;
	s10 =	sld [smem:$0x3FB0];
	_ =	sdelay $0x3  }
0x37: {  	[smem:$0x3FB0] =	sst s10  }
0x38: {  	s10 =	sld [smem:$0x3FB1]  }
0x39: {  	_ = 	snop;
	(pc) =	sbr.ind lr, $3  }
0x3a: {  	_ = 	snop  }
0x3b: {  	_ = 	snop  }
0x3c: {  	p2 =	seq.s32 s10, $0x1;
	s10 =	sld [smem:$0x3FB0]  }
0x3d: {  	_ =	shalt  }
0x3e: {  	_ =	shalt  }
0x3f: {  	_ =	shalt  }
0x40: {  	_ =	shalt  }
0x41: {  	_ =	shalt  }
0x42: {  	_ =	shalt  }
0x43: {  	_ =	shalt  }
0x44: {  	_ =	shalt  }
0x45: {  	_ =	shalt  }
0x46: {  	_ =	shalt  }
0x47: {  	_ =	shalt  }
0x48: {  	_ =	shalt  }
0x49: {  	_ =	shalt  }
0x4a: {  	_ =	shalt  }
0x4b: {  	_ =	shalt  }
0x4c: {  	_ =	shalt  }
0x4d: {  	_ =	shalt  }
0x4e: {  	_ =	shalt  }
0x4f: {  	_ =	shalt  }
0x50: {  	_ =	shalt  }
0x51: {  	_ =	shalt  }
0x52: {  	_ =	shalt  }
0x53: {  	_ =	shalt  }
0x54: {  	_ =	shalt  }
0x55: {  	_ =	shalt  }
0x56: {  	_ =	shalt  }
0x57: {  	_ =	shalt  }
0x58: {  	_ =	shalt  }
0x59: {  	_ =	shalt  }
0x5a: {  	_ =	shalt  }
0x5b: {  	_ =	shalt  }
0x5c: {  	_ =	shalt  }
0x5d: {  	_ =	shalt  }
0x5e: {  	_ =	shalt  }
0x5f: {  	_ =	shalt  }
0x60: {  	_ =	shalt  }
0x61: {  	_ =	shalt  }
0x62: {  	_ =	shalt  }
0x63: {  	_ =	shalt  }
0x64: {  	_ =	shalt  }
0x65: {  	_ =	shalt  }
0x66: {  	_ =	shalt  }
0x67: {  	_ =	shalt  }
0x68: {  	_ =	shalt  }
0x69: {  	_ =	shalt  }
0x6a: {  	_ =	shalt  }
0x6b: {  	_ =	shalt  }
0x6c: {  	_ =	shalt  }
0x6d: {  	_ =	shalt  }
0x6e: {  	_ =	shalt  }
0x6f: {  	_ =	shalt  }
0x70: {  	_ =	shalt  }
0x71: {  	_ =	shalt  }
0x72: {  	_ =	shalt  }
0x73: {  	_ =	shalt  }
0x74: {  	_ =	shalt  }
0x75: {  	_ =	shalt  }
0x76: {  	_ =	shalt  }
0x77: {  	_ =	shalt  }
0x78: {  	_ =	shalt  }
0x79: {  	_ =	shalt  }
0x7a: {  	_ =	shalt  }
0x7b: {  	_ =	shalt  }
0x7c: {  	_ =	shalt  }
0x7d: {  	_ =	shalt  }
0x7e: {  	_ =	shalt  }
0x7f: {  	_ =	shalt  }
0x80: {  	_ =	shalt  }
0x81: {  	_ =	shalt  }
0x82: {  	_ =	shalt  }
0x83: {  	_ =	shalt  }
0x84: {  	_ =	shalt  }
0x85: {  	_ =	shalt  }
0x86: {  	_ =	shalt  }
0x87: {  	_ =	shalt  }
.Lfunc_end0:
.L_simem_size_0:
called_computation.1_lowered:
.L_overlay_start_0:
0x88: {  	s2 =	sld [smem:$0x3FD9]  }
0x89: {  	s3 =	sld [smem:$0x3FFE];
	_ =	sdelay $0x1  }
0x8a: {  	s1 =	srdreg.scid  }
0x8b: {  	s0 =	sand.u32 $0x1, s1  }
0x8c: {  	s14 =	sshll.u32 s0, $0xA;
	s2 =	sadd.s32 s3, s2  }
0x8d: {  	s2 =	sadd.s32 s2, s14  }
0x8e: {  	[smem:$0x3FBC] =	sst s2  }
0x8f: {  	_ = 	snop  }
0x90: {  	s2 =	sld [smem:$0x3FD0];
	_ =	sdelay $0x2  }
0x91: {  	s15 =	simm.s32 $0xA;
	s4 =	simm.s32 $0x10  }
0x92: {  	[smem:s4], [sflag:s15] =	dma.local [hbm:s2], $0x1  }
0x93: {  	_ =	swait.eq [sflag:s15], $0x1  }
0x94: {  	[sflag:s15] =	ssyncset.done $0x0  }
0x95: {  	s16 =	sld [smem:$0x10];
	[sflag:s15] =	ssyncadd.s32 $0xFFFFFFFF  }
0x96: {  	s17 =	sld [smem:$0x11];
	(tm) =	ssettm $0x1  }
0x97: {  	s18 =	sld [smem:$0x3FFB];
	_ =	sdelay $0x3  }
0x98: {  	_ =	strace s18  }
0x99: {  	s4 =	sld [smem:$0x3FFC];
	_ =	sdelay $0x3  }
0x9a: {  	_ =	strace s4  }
0x9b: {  	s4 =	sld [smem:$0x3FFD];
	_ =	sdelay $0x3  }
0x9c: {  	_ =	strace s4  }
0x9d: {  	_ =	strace $0x8FFFFFFF  }
0x9e: {  	s19 =	sld [smem:$0x3FDB];
	_ =	sdelay $0x1  }
0x9f: {  	s5 =	simm.s32 $_scs_section_size  }
0xa0: {  	s6 =	simm.s32 $_size__tile_overlayer_lowered;
	s7 =	simm.s32 $_tile_overlayer_lowered  }
0xa1: {  	s22 =	simm.s32 $0x1BFF;
	s21 =	sshll.u32 s7, $0x1;
	s4 =	sadd.s32 s5, s19  }
0xa2: {  	s8 =	simm.s32 $0x0;
	s20 =	sshll.u32 s6, $0x1;
	s6 =	sadd.s32 s21, s4  }
0xa3: {  	[timem:s8], [sflag:s22] =	dma.local [hbm:s6], s20  }
0xa4: {  	_ =	swait.ge [sflag:s22], s20  }
0xa5: {  	s5 =	ssub.s32 $0x0, s20;
	[sflag:s22] =	ssyncset.done $0x0  }
0xa6: {  	[sflag:s22] =	ssyncadd.s32 s5;
	_ =	sdelay $0x1  }
0xa7: {  	s23 =	simm.s32 $0x1B8B  }
0xa8: {  	_ =	swait.ge [sflag:s23], $0x1  }
0xa9: {  	[sflag:s23] =	ssyncset.done $0x0  }
0xaa: {  	s25 =	simm.s32 $0x1B8E;
	s24 =	sld [smem:$0x3FFE];
	[sflag:s23] =	ssyncadd.s32 $0xFFFFFFFF  }
0xab: {  	s26 =	simm.s32 $execute0_lowered;
	[smem:$0x3FD2] =	sst s25  }
0xac: {  	s6 =	sshll.u32 s26, $0x1;
	_ =	strace $0x80000049;
	[dreg:$0x1] =	wrdreg $0xFFFFFFFF  }
0xad: {  	s28 =	simm.s32 $_size_execute0_lowered;
	s4 =	sadd.s32 s4, s6;
	[dreg:$0x0] =	wrdreg $0x0  }
0xae: {  	s6 =	sshll.u32 s28, $0x1;
	[dreg:$0x2] =	wrdreg s4  }
0xaf: {  	[dreg:$0x3] =	wrdreg s6  }
0xb0: {  	[dreg:$0x4] =	wrdreg $0xC0  }
0xb1: {  	_ =	task [dreg:s8], $0x5FFFF  }
0xb2: {  	[dreg:$0x1] =	wrdreg $0xFFFFFFFF  }
0xb3: {  	[dreg:$0x0] =	wrdreg $0x60  }
0xb4: {  	[dreg:$0x2] =	wrdreg s24  }
0xb5: {  	[dreg:$0x3] =	wrdreg s17  }
0xb6: {  	[dreg:$0x4] =	wrdreg s16  }
0xb7: {  	[dreg:$0x5] =	wrdreg $0x9  }
0xb8: {  	_ =	task.clear_ibuf [dreg:s8], $0x6FFFF;
	_ =	strace $0x90000049  }
0xb9: {  	s29 =	simm.s32 $0x9;
	_ =	strace $0x8000004B  }
0xba: {  	_ =	swait.ge [sflag:s29], $0x1  }
0xbb: {  	[sflag:s29] =	ssyncadd.s32 $0xFFFFFFFF  }
0xbc: {  	_ =	strace $0x9000004B  }
0xbd: {  	_ =	sfence  }
0xbe: {  	s30 =	sld [smem:$0x0];
	_ =	sdelay $0x2  }
0xbf: {  	s31 =	sshll.u32 s1, $0xD;
	s1 =	sshrl.u32 s1, $0x2  }
0xc0: {  	s3 =	sand.u32 $0x4000, s31;
	s1 =	sadd.s32 s1, s30  }
0xc1: {  	s0 =	sor.u32 s3, s0;
	s1 =	sshll.u32 s1, $0x11  }
0xc2: {  	s0 =	sor.u32 s1, s0  }
0xc3: {  	s0 =	sadd.s32 $0x8F2B, s0  }
0xc4: {  	[sflag:s0] =	ssyncadd.remote.s32 $0x1  }
0xc5: {  	_ =	sfence.sel $0xFFFF  }
0xc6: {  	[dreg:$0x0] =	wrdreg $0xFFFFFFFF;
	(pc) =	sbr.abs _section_cstart, $3  }
0xc7: {  	[dreg:$0x1] =	wrdreg $0xFFFFFFFF  }
0xc8: {  	_ =	task.clear_ibuf [dreg:s8], $0x2FFFF;
	_ =	strace $0x9FFFFFFF  }
0xc9: {  	(tm) =	ssettm $0x7FFFFFFF  }
tec
execute0_lowered:
.L_overlay_start_1:
0x0: {  	(tag) =	ssettag $0x1  }
0x1: {  	s4 =	rddreg [dreg:$0x0]  }
0x2: {  	s2 =	rddreg [dreg:$0x1];
	s1 =	srdreg.scid  }
0x3: {  	s0 =	stileid.u32;
	s7 =	rddreg [dreg:$0x2]  }
0x4: {  	s3 =	simm.s32 $0x0;
	s10 =	simm.s32 $0x9C40;
	s11 =	simm.s32 $0xB040  }
0x5: {  	s13 =	simm.s32 $0xC440;
	s5 =	sand.u32 $0x1, s1;
	s6 =	sshll.u32 s0, $0x1  }
0x6: {  	s14 =	simm.s32 $0x0;
	s1 =	rddreg [dreg:$0x3];
	s12 =	sor.u32 s5, s6  }
0x7: {  	[smem:$0x7FF] =	sst s3;
	s5 =	ssub.s32 $0x2, s5;
	s8 =	smul.u32 $0x280, s12  }
0x8: {  	_ =	strace $0x8000004A;
	s9 =	sshrl.u32 s5, $0x1;
	p0 =	sne.s32 s12, $0x0  }
0x9: {  	s12 =	simm.s32 $0x4E20;
	s9 =	ssub.s32 s5, s9;
	s31 =	sadd.s32 s8, s4  }
0xa: {  	s4 =	sadd.s32 $0x2E00, s4;
	s7 =	sadd.s32 s7, s8;
	s8 =	smax.u32 s9, $0x1  }
0xb: {  	s9 =	simm.s32 $0x1;
	s5 =	sadd.s32 $0x39200, s31;
	s6 =	sadd.s32 $0xCE00, s31  }
.LBB2_1:
0xc: {  	[tilespmem:s3], [sflag:$0x1] =	stream.linear.gather [hbm4b:s2+s3], $0x4E20, $0x38;
	[tilespmem:$0xD840] =	vst v63  }
0xd: {  	_ =	swait.ge [sflag:s9], $0x4E20  }
0xe: {  	[sflag:s9] =	ssyncset.done $0x0  }
0xf: {  	[sflag:s9] =	ssyncadd.s32 $0xFFFFB1E0  }
0x10: {  	[tilespmem:s10], [sflag:$0x1] =	stream.linear.gather [hbm4b:s5+s3], $0x1400, $0x38;
	[tilespmem:$0xD840] =	vst v63  }
0x11: {  	_ =	swait.ge [sflag:s9], $0x1400  }
0x12: {  	[sflag:s9] =	ssyncset.done $0x0  }
0x13: {  	[sflag:s9] =	ssyncadd.s32 $0xFFFFEC00  }
0x14: {  	[tilespmem:s11], [sflag:$0x1] =	stream.linear.gather [hbm4b:s6+s3], $0x1400, $0x38;
	[tilespmem:$0xD840] =	vst v63  }
0x15: {  	_ =	swait.ge [sflag:s9], $0x1400  }
0x16: {  	[sflag:s9] =	ssyncset.done $0x0  }
0x17: {  	s16 =	simm.s32 $0x0;
	[sflag:s9] =	ssyncadd.s32 $0xFFFFEC00  }
0x18: {  	v0 =	vld [tilespmem:s16+$0x0]  }
0x19: {  	s15 =	simm.s32 $0x10;
	v1 =	vld [tilespmem:s16+$0x2710]  }
0x1a: {  	v2 =	vld [tilespmem:s15+$0x0]  }
0x1b: {  	v3 =	vld [tilespmem:s15+$0x2710];
	_ =	sdelay $0x2  }
0x1c: {  	v1 =	vadd.f32 v1, v0;
	_ =	sdelay $0x1  }
0x1d: {  	v0 =	vadd.f32 v3, v2;
	v2 =	vadd.f32 $9.999999710e-10, v1;
	_ =	sdelay $0x1  }
0x1e: {  	(erf) = vrcp.f32 v2  }
0x1f: {  	s17 =	simm.s32 $0x20;
	v4 =	vadd.f32 $9.999999710e-10, v0  }
0x20: {  	v3 =	vld [tilespmem:s17+$0x2710]  }
0x21: {  	v2 =	vld [tilespmem:s17+$0x0];
	(erf) = vrcp.f32 v4;
	_ =	sdelay $0x2  }
0x22: {  	s18 =	simm.s32 $0xC0  }
.LBB2_2:
0x23: {  	s19 =	sshra.s32 s18, $0x2;
	p1 =	sne.s32 s18, $0x9C00  }
.Ltmp0:
0x24: {  	s18 =	sadd.s32 $0x40, s18;
	v4 =	vadd.f32 v3, v2;
	v2 =	vld [tilespmem:s19+$0x0];
	(pc) =	sbr.rel @p1 .LBB2_2-.Ltmp0, $3  }
0x25: {  	v3 =	vld [tilespmem:s19+$0x2710];
	v5 =	vpop (erf)  }
0x26: {  	v6 =	vadd.f32 $9.999999710e-10, v4;
	[tilespmem:s16+$0x4E20] =	vst v5;
	v5 =	vmul.f32 v5, v1;
	v1 =	vmovc v0;
	v0 =	vmov v4;
	_ =	sdelay $0x1  }
0x27: {  	(erf) = vrcp.f32 v6;
	[tilespmem:s16+$0x7530] =	vst v5;
	s16 =	smov.u32 s15;
	s15 =	smov.u32 s17;
	s17 =	smov.u32 s19  }
0x28: {  	_ = 	snop  }
0x29: {  	v2 =	vadd.f32 v3, v2;
	_ =	sdelay $0x1  }
0x2a: {  	v3 =	vadd.f32 $9.999999710e-10, v2;
	_ =	sdelay $0x1  }
0x2b: {  	(erf) = vrcp.f32 v3;
	_ =	sdelay $0x4  }
0x2c: {  	v60 =	vpop (erf)  }
0x2d: {  	v1 =	vmul.f32 v60, v1  }
0x2e: {  	[tilespmem:s16+$0x4E20] =	vst v60;
	v61 =	vpop (erf)  }
0x2f: {  	[tilespmem:s16+$0x7530] =	vst v1;
	v0 =	vmul.f32 v61, v0  }
0x30: {  	[tilespmem:s15+$0x4E20] =	vst v61;
	v62 =	vpop (erf)  }
0x31: {  	[tilespmem:s15+$0x7530] =	vst v0;
	v63 =	vmul.f32 v62, v2  }
0x32: {  	[tilespmem:s17+$0x4E20] =	vst v62  }
0x33: {  	s16 =	simm.s32 @!p0 $0x7530;
	s15 =	simm.s32 @!p0 $0x0;
	[tilespmem:s17+$0x7530] =	vst v63  }
0x34: {  	[hbm4b:s4+s15] =	stream.linear.scatter @!p0 [tilespmem:s16], [sflag:$0x1], $0x2710, $0x38;
	[tilespmem:$0xD840] =	vst v63  }
0x35: {  	s15 =	simm.s32 @!p0 $0x1  }
0x36: {  	_ =	swait.ge @!p0 [sflag:s15], $0x2710  }
0x37: {  	s18 =	simm.s32 $0xC460;
	s17 =	simm.s32 $0x9C60;
	[sflag:s15] =	ssyncset.done @!p0 $0x0  }
0x38: {  	s16 =	simm.s32 $0xB060;
	[sflag:s15] =	ssyncadd.s32 @!p0 $0xFFFFD8F0;
	s15 =	simm.s32 $0xFFFFFFFC  }
.LBB2_4:
0x39: {  	v0 =	vld [tilespmem:s16+$0xFFFFFFE0];
	_ =	sdelay $0x6  }
0x3a: {  	v1 =	vld [tilespmem:s17+$0xFFFFFFE0]  }
0x3b: {  	v0 =	vld.idx.msk [tilespmem:v0+s12+$0x0], $0xffff;
	_ =	sdelay $0x4  }
0x3c: {  	v0 =	vmul.f32 v1, v0;
	_ =	sdelay $0x1  }
0x3d: {  	[tilespmem:s18+$0xFFFFFFE0] =	vst v0  }
0x3e: {  	v0 =	vld [tilespmem:s16+$0xFFFFFFF0];
	_ =	sdelay $0x6  }
0x3f: {  	v61 =	vld [tilespmem:s17+$0xFFFFFFF0]  }
0x40: {  	v0 =	vld.idx.msk [tilespmem:v0+s12+$0x0], $0xffff;
	_ =	sdelay $0x4  }
0x41: {  	v0 =	vmul.f32 v61, v0;
	_ =	sdelay $0x1  }
0x42: {  	[tilespmem:s18+$0xFFFFFFF0] =	vst v0  }
0x43: {  	v0 =	vld [tilespmem:s16+$0x0];
	_ =	sdelay $0x6  }
0x44: {  	v62 =	vld [tilespmem:s17+$0x0]  }
0x45: {  	v0 =	vld.idx.msk [tilespmem:v0+s12+$0x0], $0xffff;
	_ =	sdelay $0x4  }
0x46: {  	v0 =	vmul.f32 v62, v0;
	_ =	sdelay $0x1  }
0x47: {  	[tilespmem:s18+$0x0] =	vst v0  }
0x48: {  	v0 =	vld [tilespmem:s16+$0x10];
	_ =	sdelay $0x6  }
0x49: {  	v63 =	vld [tilespmem:s17+$0x10]  }
0x4a: {  	v0 =	vld.idx.msk [tilespmem:v0+s12+$0x0], $0xffff  }
0x4b: {  	s15 =	sadd.s32 $0x4, s15  }
0x4c: {  	p1 =	slt.u32 s15, $0x13C  }
.Ltmp1:
0x4d: {  	_ = 	snop;
	(pc) =	sbr.rel @p1 .LBB2_4-.Ltmp1, $3  }
0x4e: {  	_ = 	snop  }
0x4f: {  	v0 =	vmul.f32 v63, v0;
	_ =	sdelay $0x1  }
0x50: {  	s16 =	sadd.s32 $0x40, s16;
	s17 =	sadd.s32 $0x40, s17;
	[tilespmem:s18+$0x10] =	vst v0;
	s18 =	sadd.s32 $0x40, s18  }
0x51: {  	s14 =	sadd.s32 $0x1, s14  }
0x52: {  	p1 =	sne.s32 s14, s8  }
.Ltmp2:
0x53: {  	_ = 	snop;
	(pc) =	sbr.rel @p1 .LBB2_1-.Ltmp2, $4  }
0x54: {  	[hbm4b:s7+s3] =	stream.linear.scatter [tilespmem:s13], [sflag:$0x1], $0x1400, $0x38;
	[tilespmem:$0xD840] =	vst v63  }
0x55: {  	_ =	swait.ge [sflag:s9], $0x1400  }
0x56: {  	[sflag:s9] =	ssyncset.done $0x0  }
0x57: {  	[sflag:s9] =	ssyncadd.s32 $0xFFFFEC00  }
0x58: {  	_ =	sfence.sel $0x180000  }
0x59: {  	[bflag:$0x0] =	sbarrier.arrive $0xFFFF  }
0x5a: {  	p0 =	sne.s32 s0, $0x0;
	_ =	strace $0x9000004A  }
0x5b: {  	s0 =	sadd.s32 @!p0 $0x100000, s1;
	[bflag:$0x2] =	sbarrier.arrive $0xFFFF  }
0x5c: {  	[sflag:s0] =	ssyncadd.tile.s32 @!p0 $0x1;
	_ =	shalt  }
.Lfunc_end2:
_tile_overlayer_lowered:
.L_overlay_start_2:
0x5d: {  	(tag) =	ssettag $0x2  }
0x5e: {  	s0 =	rddreg [dreg:$0x0];
	s2 =	stileid.u32  }
0x5f: {  	s1 =	rddreg [dreg:$0x1];
	p0 =	sne.s32 s2, $0x0  }
0x60: {  	s3 =	rddreg [dreg:$0x2];
	[bflag:$0x3] =	sbarrier.arrive $0xFFFF;
	s2 =	simm.s32 @!p0 $0x1C01  }
0x61: {  	[timem:s3], [sflag:s2] =	dma.local @!p0 [hbm:s0], s1  }
0x62: {  	s0 =	simm.s32 @!p0 $0x1  }
0x63: {  	_ =	swait.ge @!p0 [sflag:s0], s1  }
0x64: {  	s1 =	ssub.s32 @!p0 $0x0, s1;
	[sflag:s0] =	ssyncset.done @!p0 $0x0  }
0x65: {  	[sflag:s0] =	ssyncadd.s32 @!p0 s1  }
0x66: {  	[bflag:$0x3] =	sbarrier.arrive $0xFFFF  }
0x67: {  	_ =	shalt  }

</sc_bundles>
